<compile_context>
chip_gen: v7x
topology: tpu7x:2x2x1
jax: 0.10.2.dev20260603
libtpu: 0.0.44.dev20260713+nightly
codegen_flags: <defaults>
</compile_context>

<pallas_src>
import functools

import jax
import jax.numpy as jnp
from jax import lax
from jax.experimental import pallas as pl
from jax.experimental.pallas import tpu as pltpu
from jax.experimental.pallas import tpu_sc as plsc

_N = 10000
_E = 320000
_D = 128
_NP = 10240
_NTILES = 16
_NCORES = 2
_NW = _NCORES * _NTILES
_SL = _NP // _NTILES
_CH = 2000
_GRP = _CH // 16
_EA = _E // _NTILES
_EB = _E // _NW


def _mm_body(x_ref, w_ref, o_ref):
    o_ref[...] = jnp.dot(x_ref[...], w_ref[...],
                         preferred_element_type=jnp.float32)


def _fin_body(acc_ref, w_ref, b1_ref, bfc_ref, o_ref):
    p = jnp.sum(acc_ref[...], axis=1)
    r = jnp.maximum(p + b1_ref[...], 0.0)
    logit = jnp.sum(r * w_ref[...]) + bfc_ref[0, 0]
    o_ref[...] = jnp.reshape(jax.nn.sigmoid(logit), (1, 1))


def _sc_body(src_hbm, dst_hbm, ew_hbm, h01_hbm, acc_hbm,
             nd_v, h01_v, acc0_v, acc1_v,
             st_src, st_dst, st_ew, tmp_v,
             deg_sh, dis_sh):
    cid = lax.axis_index("c")
    sid = lax.axis_index("s")
    wid = cid * _NTILES + sid
    zero16 = jnp.zeros((16,), jnp.float32)
    zi = jnp.zeros((16,), jnp.int32)
    oi = jnp.ones((16,), jnp.int32)

    def _zero(i, _):
        nd_v[pl.ds(i * 16, 16)] = zero16
        acc0_v[pl.ds(i * 16, 16)] = zero16
        acc1_v[pl.ds(i * 16, 16)] = zero16
        return 0
    lax.fori_loop(0, _NP // 16, _zero, 0)

    base_a = sid * _EA

    def _chunk_a(c, _):
        off = base_a + c * _CH
        pltpu.sync_copy(dst_hbm.at[pl.ds(off, _CH)], st_dst)
        pltpu.sync_copy(ew_hbm.at[pl.ds(off, _CH)], st_ew)

        def _grp(j, _):
            d16 = st_dst[pl.ds(j * 16, 16)]
            w16 = st_ew[pl.ds(j * 16, 16)]
            plsc.addupdate_scatter(nd_v, [d16], w16)
            return 0
        lax.fori_loop(0, _GRP, _grp, 0)
        return 0
    lax.fori_loop(0, _EA // _CH, _chunk_a, 0)

    pltpu.sync_copy(nd_v, deg_sh.at[sid])
    plsc.subcore_barrier()

    nbase = sid * _SL
    pltpu.sync_copy(deg_sh.at[0, pl.ds(nbase, _SL)], nd_v.at[pl.ds(nbase, _SL)])
    for t in range(1, _NTILES):
        pltpu.sync_copy(deg_sh.at[t, pl.ds(nbase, _SL)], tmp_v)

        def _acc(g, _):
            off = nbase + g * 16
            nd_v[pl.ds(off, 16)] = (nd_v[pl.ds(off, 16)]
                                    + tmp_v[pl.ds(g * 16, 16)])
            return 0
        lax.fori_loop(0, _SL // 16, _acc, 0)

    def _dis(g, _):
        off = nbase + g * 16
        x = nd_v[pl.ds(off, 16)] + 1.0
        ii = plsc.bitcast(x, jnp.int32)
        ii = jnp.int32(0x5F3759DF) - lax.shift_right_logical(ii, 1)
        y = plsc.bitcast(ii, jnp.float32)
        for _i in range(3):
            y = y * (1.5 - 0.5 * x * y * y)
        nd_v[pl.ds(off, 16)] = y
        return 0
    lax.fori_loop(0, _SL // 16, _dis, 0)

    pltpu.sync_copy(nd_v.at[pl.ds(nbase, _SL)], dis_sh.at[pl.ds(nbase, _SL)])
    plsc.subcore_barrier()
    pltpu.sync_copy(dis_sh, nd_v)

    pltpu.sync_copy(h01_hbm, h01_v)

    @pl.when(cid == 0)
    def _selfloop():
        def _sl_grp(g, _):
            off = nbase + g * 16
            d = nd_v[pl.ds(off, 16)]
            d2 = d * d
            idx = jnp.arange(16, dtype=jnp.int32) + off
            h0 = plsc.load_gather(h01_v, [idx, zi])
            h1 = plsc.load_gather(h01_v, [idx, oi])
            acc0_v[pl.ds(off, 16)] = d2 * h0
            acc1_v[pl.ds(off, 16)] = d2 * h1
            return 0
        lax.fori_loop(0, _SL // 16, _sl_grp, 0)

    base_b = wid * _EB

    def _chunk_b(c, _):
        off = base_b + c * _CH
        pltpu.sync_copy(src_hbm.at[pl.ds(off, _CH)], st_src)
        pltpu.sync_copy(dst_hbm.at[pl.ds(off, _CH)], st_dst)
        pltpu.sync_copy(ew_hbm.at[pl.ds(off, _CH)], st_ew)

        def _grp(j, _):
            s16 = st_src[pl.ds(j * 16, 16)]
            d16 = st_dst[pl.ds(j * 16, 16)]
            w16 = st_ew[pl.ds(j * 16, 16)]
            dsrc = plsc.load_gather(nd_v, [s16])
            ddst = plsc.load_gather(nd_v, [d16])
            nrm = dsrc * w16 * ddst
            h0 = plsc.load_gather(h01_v, [s16, zi])
            h1 = plsc.load_gather(h01_v, [s16, oi])
            plsc.addupdate_scatter(acc0_v, [d16], h0 * nrm)
            plsc.addupdate_scatter(acc1_v, [d16], h1 * nrm)
            return 0
        lax.fori_loop(0, _GRP, _grp, 0)
        return 0
    lax.fori_loop(0, _EB // _CH, _chunk_b, 0)

    pltpu.sync_copy(acc0_v, acc_hbm.at[0, wid])
    pltpu.sync_copy(acc1_v, acc_hbm.at[1, wid])


_sc_agg = functools.partial(
    pl.kernel,
    mesh=plsc.VectorSubcoreMesh(core_axis_name="c", subcore_axis_name="s",
                                num_cores=_NCORES, num_subcores=_NTILES),
    out_type=jax.ShapeDtypeStruct((2, _NW, _NP), jnp.float32),
    compiler_params=pltpu.CompilerParams(needs_layout_passes=False,
                                         use_tc_tiling_on_sc=False),
    scratch_types=[
        pltpu.VMEM((_NP,), jnp.float32),
        pltpu.VMEM((_NP, 2), jnp.float32),
        pltpu.VMEM((_NP,), jnp.float32),
        pltpu.VMEM((_NP,), jnp.float32),
        pltpu.VMEM((_CH,), jnp.int32),
        pltpu.VMEM((_CH,), jnp.int32),
        pltpu.VMEM((_CH,), jnp.float32),
        pltpu.VMEM((_SL,), jnp.float32),
        pltpu.VMEM_SHARED((_NTILES, _NP), jnp.float32),
        pltpu.VMEM_SHARED((_NP,), jnp.float32),
    ],
)(_sc_body)


def kernel(x, edge_list, edge_attr, W1, b1, Wfc, bfc):
    src = edge_list[0].astype(jnp.int32)
    dst = edge_list[1].astype(jnp.int32)
    ew = edge_attr.astype(jnp.float32)
    xp = jnp.pad(x, ((0, _NP - _N), (0, 0)))

    h01 = pl.pallas_call(
        _mm_body,
        out_shape=jax.ShapeDtypeStruct((_NP, 2), jnp.float32),
    )(xp, W1)

    acc = _sc_agg(src, dst, ew, h01)

    wfc2 = jnp.pad(Wfc.reshape(_N, 2).T, ((0, 0), (0, _NP - _N)))
    res = pl.pallas_call(
        _fin_body,
        out_shape=jax.ShapeDtypeStruct((1, 1), jnp.float32),
    )(acc, wfc2, b1.reshape(2, 1), bfc.reshape(1, 1))
    return res[0, 0]

# --- scband reference (transcript-rebuilt; emitter-appended) ---
"""Pipeline reference for scband-simple-discriminator-28836410425363 (READ-ONLY COPY).

The authoritative reference and input builder live on the scoring server;
editing this copy changes nothing except your own understanding.
"""

import jax, jax.numpy as jnp
import numpy as np

N = 10000
E = 320000
D = 128

def setup_inputs(seed: int = 0) -> dict:
    key = jax.random.key(seed)
    ks = jax.random.split(key, 8)
    x = jax.random.normal(ks[0], (N, D), dtype=jnp.float32)
    edge_list = jax.random.randint(ks[1], (2, E), 0, N)
    edge_attr = jax.random.uniform(ks[2], (E,), dtype=jnp.float32)
    # GCNConv(node_features=128, out_channels=2) params
    W1 = jax.random.normal(ks[3], (D, 2), dtype=jnp.float32) * (1.0 / np.sqrt(D))
    b1 = jnp.zeros((2,), dtype=jnp.float32)
    # fc: Linear(num_nodes*2, 1)
    Wfc = jax.random.normal(ks[4], (N * 2,), dtype=jnp.float32) * (1.0 / np.sqrt(N * 2))
    bfc = jnp.zeros((1,), dtype=jnp.float32)
    return {"x": x, "edge_list": edge_list, "edge_attr": edge_attr,
            "W1": W1, "b1": b1, "Wfc": Wfc, "bfc": bfc}

def _gcn_conv(x, edge_list, edge_weight, W, b):
    # Faithful PyG GCNConv: add self-loops (weight 1), symmetric normalization,
    # linear transform, scatter-add aggregation to dst, plus bias.
    Nn = x.shape[0]
    src = edge_list[0]
    dst = edge_list[1]
    loop = jnp.arange(Nn, dtype=src.dtype)
    src_a = jnp.concatenate([src, loop])
    dst_a = jnp.concatenate([dst, loop])
    ew = jnp.concatenate([edge_weight, jnp.ones((Nn,), dtype=x.dtype)])
    deg = jnp.zeros((Nn,), dtype=x.dtype).at[dst_a].add(ew)
    deg_inv_sqrt = jnp.where(deg > 0, jax.lax.rsqrt(jnp.maximum(deg, 1e-12)), 0.0)
    norm = deg_inv_sqrt[src_a] * ew * deg_inv_sqrt[dst_a]
    h = x @ W
    msg = h[src_a] * norm[:, None]
    out = jnp.zeros((Nn, W.shape[1]), dtype=x.dtype).at[dst_a].add(msg)
    return out + b

def reference(x, edge_list, edge_attr, W1, b1, Wfc, bfc):
    # SimpleDiscriminator.forward with training=False (no noise, no dropout)
    h = _gcn_conv(x, edge_list, edge_attr, W1, b1)
    h = jax.nn.relu(h)
    flat = h.reshape(-1)  # [N*2]
    logit = flat @ Wfc + bfc  # [1]
    return jax.nn.sigmoid(logit).squeeze()

if __name__ == "__main__":
    import jax
    _d = setup_inputs()
    print(jax.jit(kernel)(*tuple(_d.values())))

</pallas_src>

<mosaic_0001>
#map = affine_map<(d0, d1) -> (0)>
#map1 = affine_map<(d0, d1) -> (0, 0)>
#map2 = affine_map<(d0, d1) -> (0, 0, 0)>
module attributes {stable_mosaic.version = 14 : i64} {
  func.func @_sc_body(%arg0: i32, %arg1: i32, %arg2: memref<320000xi32, #tpu.memory_space<hbm>>, %arg3: memref<320000xi32, #tpu.memory_space<hbm>>, %arg4: memref<320000xf32, #tpu.memory_space<hbm>>, %arg5: memref<10240x2xf32, #tpu.memory_space<hbm>>, %arg6: memref<2x32x10240xf32, #tpu.memory_space<hbm>>, %arg7: memref<10240xf32, #tpu.memory_space<vmem>>, %arg8: memref<10240x2xf32, #tpu.memory_space<vmem>>, %arg9: memref<10240xf32, #tpu.memory_space<vmem>>, %arg10: memref<10240xf32, #tpu.memory_space<vmem>>, %arg11: memref<2000xi32, #tpu.memory_space<vmem>>, %arg12: memref<2000xi32, #tpu.memory_space<vmem>>, %arg13: memref<2000xf32, #tpu.memory_space<vmem>>, %arg14: memref<640xf32, #tpu.memory_space<vmem>>, %arg15: memref<16x10240xf32, #tpu.memory_space<vmem_shared>>, %arg16: memref<10240xf32, #tpu.memory_space<vmem_shared>>) attributes {dimension_semantics = [#tpu.dimension_semantics<core_parallel>, #tpu.dimension_semantics<subcore_parallel>], iteration_bounds = array<i64: 2, 16>, scalar_prefetch = 0 : i64, scratch_operands = 10 : i64, tpu.core_type = #tpu.core_type<sc_vector_subcore>, window_params = [{transform_indices = #map}, {transform_indices = #map}, {transform_indices = #map}, {transform_indices = #map1}, {transform_indices = #map2}]} {
    %mul3A = arith.constant 16 : i32
    %mul3A_0 = arith.muli %arg0, %mul3A : i32
    %add3A = arith.addi %mul3A_0, %arg1 : i32
    %broadcast_in_dim3A = arith.constant 0.000000e+00 : f32
    %broadcast_in_dim3A_1 = vector.broadcast %broadcast_in_dim3A : f32 to vector<16xf32>
    %broadcast_in_dim3A_2 = arith.constant 0 : i32
    %broadcast_in_dim3A_3 = vector.broadcast %broadcast_in_dim3A_2 : i32 to vector<16xi32>
    %broadcast_in_dim3A_4 = arith.constant 1 : i32
    %broadcast_in_dim3A_5 = vector.broadcast %broadcast_in_dim3A_4 : i32 to vector<16xi32>
    %scan3A = arith.constant 0 : i32
    %scan3A_6 = arith.constant 0 : i32
    %scan3A_7 = arith.constant 640 : i32
    %scan3A_8 = arith.addi %scan3A_6, %scan3A_7 : i32
    %scan3A_9 = arith.constant 1 : i32
    %scan3A_10 = scf.for %scan3A_164 = %scan3A_6 to %scan3A_8 step %scan3A_9 iter_args(%scan3A_165 = %scan3A) -> (i32)  : i32 {
      %mul3A_166 = arith.constant 16 : i32
      %mul3A_167 = arith.muli %scan3A_164, %mul3A_166 : i32
      %swap3A = arith.index_cast %mul3A_167 : i32 to index
      %swap3A_168 = tpu.vector_load %arg7[%swap3A] {strides = array<i32>} : memref<10240xf32, #tpu.memory_space<vmem>>, vector<16xf32>,
      tpu.vector_store %arg7[%swap3A], %broadcast_in_dim3A_1 {strides = array<i32>} : memref<10240xf32, #tpu.memory_space<vmem>>, vector<16xf32>,
      %mul3A_169 = arith.constant 16 : i32
      %mul3A_170 = arith.muli %scan3A_164, %mul3A_169 : i32
      %swap3A_171 = arith.index_cast %mul3A_170 : i32 to index
      %swap3A_172 = tpu.vector_load %arg9[%swap3A_171] {strides = array<i32>} : memref<10240xf32, #tpu.memory_space<vmem>>, vector<16xf32>,
      tpu.vector_store %arg9[%swap3A_171], %broadcast_in_dim3A_1 {strides = array<i32>} : memref<10240xf32, #tpu.memory_space<vmem>>, vector<16xf32>,
      %mul3A_173 = arith.constant 16 : i32
      %mul3A_174 = arith.muli %scan3A_164, %mul3A_173 : i32
      %swap3A_175 = arith.index_cast %mul3A_174 : i32 to index
      %swap3A_176 = tpu.vector_load %arg10[%swap3A_175] {strides = array<i32>} : memref<10240xf32, #tpu.memory_space<vmem>>, vector<16xf32>,
      tpu.vector_store %arg10[%swap3A_175], %broadcast_in_dim3A_1 {strides = array<i32>} : memref<10240xf32, #tpu.memory_space<vmem>>, vector<16xf32>,
      %scan3A_177 = arith.constant 0 : i32
      scf.yield %scan3A_177 : i32
    }
    %scan3A_11 = arith.constant 640 : i32
    %mul3A_12 = arith.constant 20000 : i32
    %mul3A_13 = arith.muli %arg1, %mul3A_12 : i32
    %scan3A_14 = arith.constant 0 : i32
    %scan3A_15 = arith.constant 0 : i32
    %scan3A_16 = arith.constant 10 : i32
    %scan3A_17 = arith.addi %scan3A_15, %scan3A_16 : i32
    %scan3A_18 = arith.constant 1 : i32
    %scan3A_19 = scf.for %scan3A_164 = %scan3A_15 to %scan3A_17 step %scan3A_18 iter_args(%scan3A_165 = %scan3A_14) -> (i32)  : i32 {
      %mul3A_166 = arith.constant 2000 : i32
      %mul3A_167 = arith.muli %scan3A_164, %mul3A_166 : i32
      %add3A_168 = arith.addi %mul3A_13, %mul3A_167 : i32
      "tpu.region"() ({
        %run_scoped3A_177 = tpu.sem_alloc : memref<!tpu.dma_semaphore, #tpu.memory_space<semaphore_mem>>
        %dma_start3A = tpu.memref_slice %arg3[%add3A_168] : memref<320000xi32, #tpu.memory_space<hbm>> -> memref<2000xi32, #tpu.memory_space<hbm>>
        %dma_start3A_178 = tpu.memref_slice %arg3[%add3A_168] : memref<320000xi32, #tpu.memory_space<hbm>> -> memref<2000xi32, #tpu.memory_space<hbm>>
        tpu.enqueue_dma source(%dma_start3A_178 : memref<2000xi32, #tpu.memory_space<hbm>>) target(%arg12 : memref<2000xi32, #tpu.memory_space<vmem>>) target_semaphore(%run_scoped3A_177 : memref<!tpu.dma_semaphore, #tpu.memory_space<semaphore_mem>>)
        %dma_wait3A = tpu.memref_slice %arg3[%add3A_168] : memref<320000xi32, #tpu.memory_space<hbm>> -> memref<2000xi32, #tpu.memory_space<hbm>>
        %dma_wait3A_179 = tpu.memref_slice %arg3[%add3A_168] : memref<320000xi32, #tpu.memory_space<hbm>> -> memref<2000xi32, #tpu.memory_space<hbm>>
        tpu.wait_dma2 semaphore(%run_scoped3A_177 : memref<!tpu.dma_semaphore, #tpu.memory_space<semaphore_mem>>) src(%dma_wait3A_179 : memref<2000xi32, #tpu.memory_space<hbm>>) dst(%arg12 : memref<2000xi32, #tpu.memory_space<vmem>>)
        tpu.yield
      }) : () -> ()
      "tpu.region"() ({
        %run_scoped3A_177 = tpu.sem_alloc : memref<!tpu.dma_semaphore, #tpu.memory_space<semaphore_mem>>
        %dma_start3A = tpu.memref_slice %arg4[%add3A_168] : memref<320000xf32, #tpu.memory_space<hbm>> -> memref<2000xf32, #tpu.memory_space<hbm>>
        %dma_start3A_178 = tpu.memref_slice %arg4[%add3A_168] : memref<320000xf32, #tpu.memory_space<hbm>> -> memref<2000xf32, #tpu.memory_space<hbm>>
        tpu.enqueue_dma source(%dma_start3A_178 : memref<2000xf32, #tpu.memory_space<hbm>>) target(%arg13 : memref<2000xf32, #tpu.memory_space<vmem>>) target_semaphore(%run_scoped3A_177 : memref<!tpu.dma_semaphore, #tpu.memory_space<semaphore_mem>>)
        %dma_wait3A = tpu.memref_slice %arg4[%add3A_168] : memref<320000xf32, #tpu.memory_space<hbm>> -> memref<2000xf32, #tpu.memory_space<hbm>>
        %dma_wait3A_179 = tpu.memref_slice %arg4[%add3A_168] : memref<320000xf32, #tpu.memory_space<hbm>> -> memref<2000xf32, #tpu.memory_space<hbm>>
        tpu.wait_dma2 semaphore(%run_scoped3A_177 : memref<!tpu.dma_semaphore, #tpu.memory_space<semaphore_mem>>) src(%dma_wait3A_179 : memref<2000xf32, #tpu.memory_space<hbm>>) dst(%arg13 : memref<2000xf32, #tpu.memory_space<vmem>>)
        tpu.yield
      }) : () -> ()
      %scan3A_169 = arith.constant 0 : i32
      %scan3A_170 = arith.constant 0 : i32
      %scan3A_171 = arith.constant 125 : i32
      %scan3A_172 = arith.addi %scan3A_170, %scan3A_171 : i32
      %scan3A_173 = arith.constant 1 : i32
      %scan3A_174 = scf.for %scan3A_177 = %scan3A_170 to %scan3A_172 step %scan3A_173 iter_args(%scan3A_178 = %scan3A_169) -> (i32)  : i32 {
        %mul3A_179 = arith.constant 16 : i32
        %mul3A_180 = arith.muli %scan3A_177, %mul3A_179 : i32
        %get3A = arith.index_cast %mul3A_180 : i32 to index
        %get3A_181 = tpu.vector_load %arg12[%get3A] {strides = array<i32>} : memref<2000xi32, #tpu.memory_space<vmem>>, vector<16xi32>,
        %mul3A_182 = arith.constant 16 : i32
        %mul3A_183 = arith.muli %scan3A_177, %mul3A_182 : i32
        %get3A_184 = arith.index_cast %mul3A_183 : i32 to index
        %get3A_185 = tpu.vector_load %arg13[%get3A_184] {strides = array<i32>} : memref<2000xf32, #tpu.memory_space<vmem>>, vector<16xf32>,
        tpu.vector_store_idx %arg7[%get3A_181], %get3A_185 {add = true} : memref<10240xf32, #tpu.memory_space<vmem>>[vector<16xi32>], vector<16xf32>,
        %scan3A_186 = arith.constant 0 : i32
        scf.yield %scan3A_186 : i32
      }
      %scan3A_175 = arith.constant 125 : i32
      %scan3A_176 = arith.constant 0 : i32
      scf.yield %scan3A_176 : i32
    }
    %scan3A_20 = arith.constant 10 : i32
    "tpu.region"() ({
      %run_scoped3A_164 = tpu.sem_alloc : memref<!tpu.dma_semaphore, #tpu.memory_space<semaphore_mem>>
      %dma_start3A = arith.constant 0 : i32
      %dma_start3A_165 = tpu.memref_slice %arg15[%arg1, %dma_start3A] : memref<16x10240xf32, #tpu.memory_space<vmem_shared>> -> memref<1x10240xf32, #tpu.memory_space<vmem_shared>>
      %dma_start3A_166 = tpu.memref_squeeze %dma_start3A_165 : memref<1x10240xf32, #tpu.memory_space<vmem_shared>> -> memref<10240xf32, #tpu.memory_space<vmem_shared>>
      %dma_start3A_167 = arith.constant 0 : i32
      %dma_start3A_168 = tpu.memref_slice %arg15[%arg1, %dma_start3A_167] : memref<16x10240xf32, #tpu.memory_space<vmem_shared>> -> memref<1x10240xf32, #tpu.memory_space<vmem_shared>>
      %dma_start3A_169 = tpu.memref_squeeze %dma_start3A_168 : memref<1x10240xf32, #tpu.memory_space<vmem_shared>> -> memref<10240xf32, #tpu.memory_space<vmem_shared>>
      tpu.enqueue_dma source(%arg7 : memref<10240xf32, #tpu.memory_space<vmem>>) target(%dma_start3A_169 : memref<10240xf32, #tpu.memory_space<vmem_shared>>) target_semaphore(%run_scoped3A_164 : memref<!tpu.dma_semaphore, #tpu.memory_space<semaphore_mem>>)
      %dma_wait3A = arith.constant 0 : i32
      %dma_wait3A_170 = tpu.memref_slice %arg15[%arg1, %dma_wait3A] : memref<16x10240xf32, #tpu.memory_space<vmem_shared>> -> memref<1x10240xf32, #tpu.memory_space<vmem_shared>>
      %dma_wait3A_171 = tpu.memref_squeeze %dma_wait3A_170 : memref<1x10240xf32, #tpu.memory_space<vmem_shared>> -> memref<10240xf32, #tpu.memory_space<vmem_shared>>
      %dma_wait3A_172 = arith.constant 0 : i32
      %dma_wait3A_173 = tpu.memref_slice %arg15[%arg1, %dma_wait3A_172] : memref<16x10240xf32, #tpu.memory_space<vmem_shared>> -> memref<1x10240xf32, #tpu.memory_space<vmem_shared>>
      %dma_wait3A_174 = tpu.memref_squeeze %dma_wait3A_173 : memref<1x10240xf32, #tpu.memory_space<vmem_shared>> -> memref<10240xf32, #tpu.memory_space<vmem_shared>>
      tpu.wait_dma2 semaphore(%run_scoped3A_164 : memref<!tpu.dma_semaphore, #tpu.memory_space<semaphore_mem>>) src(%arg7 : memref<10240xf32, #tpu.memory_space<vmem>>) dst(%dma_wait3A_174 : memref<10240xf32, #tpu.memory_space<vmem_shared>>)
      tpu.yield
    }) : () -> ()
    %barrier3A = arith.constant 0 : index
    tpu.barrier barrier_id(%barrier3A)
    %mul3A_21 = arith.constant 640 : i32
    %mul3A_22 = arith.muli %arg1, %mul3A_21 : i32
    %run_scoped3A = arith.constant 0 : i32
    "tpu.region"() ({
      %run_scoped3A_164 = tpu.sem_alloc : memref<!tpu.dma_semaphore, #tpu.memory_space<semaphore_mem>>
      %dma_start3A = tpu.memref_slice %arg7[%mul3A_22] : memref<10240xf32, #tpu.memory_space<vmem>> -> memref<640xf32, #tpu.memory_space<vmem>>
      %dma_start3A_165 = tpu.memref_slice %arg15[%run_scoped3A, %mul3A_22] : memref<16x10240xf32, #tpu.memory_space<vmem_shared>> -> memref<1x640xf32, #tpu.memory_space<vmem_shared>>
      %dma_start3A_166 = tpu.memref_squeeze %dma_start3A_165 : memref<1x640xf32, #tpu.memory_space<vmem_shared>> -> memref<640xf32, #tpu.memory_space<vmem_shared>>
      %dma_start3A_167 = tpu.memref_slice %arg7[%mul3A_22] : memref<10240xf32, #tpu.memory_space<vmem>> -> memref<640xf32, #tpu.memory_space<vmem>>
      %dma_start3A_168 = tpu.memref_slice %arg15[%run_scoped3A, %mul3A_22] : memref<16x10240xf32, #tpu.memory_space<vmem_shared>> -> memref<1x640xf32, #tpu.memory_space<vmem_shared>>
      %dma_start3A_169 = tpu.memref_squeeze %dma_start3A_168 : memref<1x640xf32, #tpu.memory_space<vmem_shared>> -> memref<640xf32, #tpu.memory_space<vmem_shared>>
      tpu.enqueue_dma source(%dma_start3A_169 : memref<640xf32, #tpu.memory_space<vmem_shared>>) target(%dma_start3A_167 : memref<640xf32, #tpu.memory_space<vmem>>) target_semaphore(%run_scoped3A_164 : memref<!tpu.dma_semaphore, #tpu.memory_space<semaphore_mem>>)
      %dma_wait3A = tpu.memref_slice %arg7[%mul3A_22] : memref<10240xf32, #tpu.memory_space<vmem>> -> memref<640xf32, #tpu.memory_space<vmem>>
      %dma_wait3A_170 = tpu.memref_slice %arg15[%run_scoped3A, %mul3A_22] : memref<16x10240xf32, #tpu.memory_space<vmem_shared>> -> memref<1x640xf32, #tpu.memory_space<vmem_shared>>
      %dma_wait3A_171 = tpu.memref_squeeze %dma_wait3A_170 : memref<1x640xf32, #tpu.memory_space<vmem_shared>> -> memref<640xf32, #tpu.memory_space<vmem_shared>>
      %dma_wait3A_172 = tpu.memref_slice %arg7[%mul3A_22] : memref<10240xf32, #tpu.memory_space<vmem>> -> memref<640xf32, #tpu.memory_space<vmem>>
      %dma_wait3A_173 = tpu.memref_slice %arg15[%run_scoped3A, %mul3A_22] : memref<16x10240xf32, #tpu.memory_space<vmem_shared>> -> memref<1x640xf32, #tpu.memory_space<vmem_shared>>
      %dma_wait3A_174 = tpu.memref_squeeze %dma_wait3A_173 : memref<1x640xf32, #tpu.memory_space<vmem_shared>> -> memref<640xf32, #tpu.memory_space<vmem_shared>>
      tpu.wait_dma2 semaphore(%run_scoped3A_164 : memref<!tpu.dma_semaphore, #tpu.memory_space<semaphore_mem>>) src(%dma_wait3A_174 : memref<640xf32, #tpu.memory_space<vmem_shared>>) dst(%dma_wait3A_172 : memref<640xf32, #tpu.memory_space<vmem>>)
      tpu.yield
    }) : () -> ()
    %run_scoped3A_23 = arith.constant 1 : i32
    "tpu.region"() ({
      %run_scoped3A_164 = tpu.sem_alloc : memref<!tpu.dma_semaphore, #tpu.memory_space<semaphore_mem>>
      %dma_start3A = tpu.memref_slice %arg15[%run_scoped3A_23, %mul3A_22] : memref<16x10240xf32, #tpu.memory_space<vmem_shared>> -> memref<1x640xf32, #tpu.memory_space<vmem_shared>>
      %dma_start3A_165 = tpu.memref_squeeze %dma_start3A : memref<1x640xf32, #tpu.memory_space<vmem_shared>> -> memref<640xf32, #tpu.memory_space<vmem_shared>>
      %dma_start3A_166 = tpu.memref_slice %arg15[%run_scoped3A_23, %mul3A_22] : memref<16x10240xf32, #tpu.memory_space<vmem_shared>> -> memref<1x640xf32, #tpu.memory_space<vmem_shared>>
      %dma_start3A_167 = tpu.memref_squeeze %dma_start3A_166 : memref<1x640xf32, #tpu.memory_space<vmem_shared>> -> memref<640xf32, #tpu.memory_space<vmem_shared>>
      tpu.enqueue_dma source(%dma_start3A_167 : memref<640xf32, #tpu.memory_space<vmem_shared>>) target(%arg14 : memref<640xf32, #tpu.memory_space<vmem>>) target_semaphore(%run_scoped3A_164 : memref<!tpu.dma_semaphore, #tpu.memory_space<semaphore_mem>>)
      %dma_wait3A = tpu.memref_slice %arg15[%run_scoped3A_23, %mul3A_22] : memref<16x10240xf32, #tpu.memory_space<vmem_shared>> -> memref<1x640xf32, #tpu.memory_space<vmem_shared>>
      %dma_wait3A_168 = tpu.memref_squeeze %dma_wait3A : memref<1x640xf32, #tpu.memory_space<vmem_shared>> -> memref<640xf32, #tpu.memory_space<vmem_shared>>
      %dma_wait3A_169 = tpu.memref_slice %arg15[%run_scoped3A_23, %mul3A_22] : memref<16x10240xf32, #tpu.memory_space<vmem_shared>> -> memref<1x640xf32, #tpu.memory_space<vmem_shared>>
      %dma_wait3A_170 = tpu.memref_squeeze %dma_wait3A_169 : memref<1x640xf32, #tpu.memory_space<vmem_shared>> -> memref<640xf32, #tpu.memory_space<vmem_shared>>
      tpu.wait_dma2 semaphore(%run_scoped3A_164 : memref<!tpu.dma_semaphore, #tpu.memory_space<semaphore_mem>>) src(%dma_wait3A_170 : memref<640xf32, #tpu.memory_space<vmem_shared>>) dst(%arg14 : memref<640xf32, #tpu.memory_space<vmem>>)
      tpu.yield
    }) : () -> ()
    %scan3A_24 = arith.constant 0 : i32
    %scan3A_25 = arith.constant 0 : i32
    %scan3A_26 = arith.constant 40 : i32
    %scan3A_27 = arith.addi %scan3A_25, %scan3A_26 : i32
    %scan3A_28 = arith.constant 1 : i32
    %scan3A_29 = scf.for %scan3A_164 = %scan3A_25 to %scan3A_27 step %scan3A_28 iter_args(%scan3A_165 = %scan3A_24) -> (i32)  : i32 {
      %mul3A_166 = arith.constant 16 : i32
      %mul3A_167 = arith.muli %scan3A_164, %mul3A_166 : i32
      %add3A_168 = arith.addi %mul3A_22, %mul3A_167 : i32
      %get3A = arith.index_cast %add3A_168 : i32 to index
      %get3A_169 = tpu.vector_load %arg7[%get3A] {strides = array<i32>} : memref<10240xf32, #tpu.memory_space<vmem>>, vector<16xf32>,
      %mul3A_170 = arith.constant 16 : i32
      %mul3A_171 = arith.muli %scan3A_164, %mul3A_170 : i32
      %get3A_172 = arith.index_cast %mul3A_171 : i32 to index
      %get3A_173 = tpu.vector_load %arg14[%get3A_172] {strides = array<i32>} : memref<640xf32, #tpu.memory_space<vmem>>, vector<16xf32>,
      %add3A_174 = arith.addf %get3A_169, %get3A_173 : vector<16xf32>
      %swap3A = arith.index_cast %add3A_168 : i32 to index
      %swap3A_175 = tpu.vector_load %arg7[%swap3A] {strides = array<i32>} : memref<10240xf32, #tpu.memory_space<vmem>>, vector<16xf32>,
      tpu.vector_store %arg7[%swap3A], %add3A_174 {strides = array<i32>} : memref<10240xf32, #tpu.memory_space<vmem>>, vector<16xf32>,
      %scan3A_176 = arith.constant 0 : i32
      scf.yield %scan3A_176 : i32
    }
    %scan3A_30 = arith.constant 40 : i32
    %run_scoped3A_31 = arith.constant 2 : i32
    "tpu.region"() ({
      %run_scoped3A_164 = tpu.sem_alloc : memref<!tpu.dma_semaphore, #tpu.memory_space<semaphore_mem>>
      %dma_start3A = tpu.memref_slice %arg15[%run_scoped3A_31, %mul3A_22] : memref<16x10240xf32, #tpu.memory_space<vmem_shared>> -> memref<1x640xf32, #tpu.memory_space<vmem_shared>>
      %dma_start3A_165 = tpu.memref_squeeze %dma_start3A : memref<1x640xf32, #tpu.memory_space<vmem_shared>> -> memref<640xf32, #tpu.memory_space<vmem_shared>>
      %dma_start3A_166 = tpu.memref_slice %arg15[%run_scoped3A_31, %mul3A_22] : memref<16x10240xf32, #tpu.memory_space<vmem_shared>> -> memref<1x640xf32, #tpu.memory_space<vmem_shared>>
      %dma_start3A_167 = tpu.memref_squeeze %dma_start3A_166 : memref<1x640xf32, #tpu.memory_space<vmem_shared>> -> memref<640xf32, #tpu.memory_space<vmem_shared>>
      tpu.enqueue_dma source(%dma_start3A_167 : memref<640xf32, #tpu.memory_space<vmem_shared>>) target(%arg14 : memref<640xf32, #tpu.memory_space<vmem>>) target_semaphore(%run_scoped3A_164 : memref<!tpu.dma_semaphore, #tpu.memory_space<semaphore_mem>>)
      %dma_wait3A = tpu.memref_slice %arg15[%run_scoped3A_31, %mul3A_22] : memref<16x10240xf32, #tpu.memory_space<vmem_shared>> -> memref<1x640xf32, #tpu.memory_space<vmem_shared>>
      %dma_wait3A_168 = tpu.memref_squeeze %dma_wait3A : memref<1x640xf32, #tpu.memory_space<vmem_shared>> -> memref<640xf32, #tpu.memory_space<vmem_shared>>
      %dma_wait3A_169 = tpu.memref_slice %arg15[%run_scoped3A_31, %mul3A_22] : memref<16x10240xf32, #tpu.memory_space<vmem_shared>> -> memref<1x640xf32, #tpu.memory_space<vmem_shared>>
      %dma_wait3A_170 = tpu.memref_squeeze %dma_wait3A_169 : memref<1x640xf32, #tpu.memory_space<vmem_shared>> -> memref<640xf32, #tpu.memory_space<vmem_shared>>
      tpu.wait_dma2 semaphore(%run_scoped3A_164 : memref<!tpu.dma_semaphore, #tpu.memory_space<semaphore_mem>>) src(%dma_wait3A_170 : memref<640xf32, #tpu.memory_space<vmem_shared>>) dst(%arg14 : memref<640xf32, #tpu.memory_space<vmem>>)
      tpu.yield
    }) : () -> ()
    %scan3A_32 = arith.constant 0 : i32
    %scan3A_33 = arith.constant 0 : i32
    %scan3A_34 = arith.constant 40 : i32
    %scan3A_35 = arith.addi %scan3A_33, %scan3A_34 : i32
    %scan3A_36 = arith.constant 1 : i32
    %scan3A_37 = scf.for %scan3A_164 = %scan3A_33 to %scan3A_35 step %scan3A_36 iter_args(%scan3A_165 = %scan3A_32) -> (i32)  : i32 {
      %mul3A_166 = arith.constant 16 : i32
      %mul3A_167 = arith.muli %scan3A_164, %mul3A_166 : i32
      %add3A_168 = arith.addi %mul3A_22, %mul3A_167 : i32
      %get3A = arith.index_cast %add3A_168 : i32 to index
      %get3A_169 = tpu.vector_load %arg7[%get3A] {strides = array<i32>} : memref<10240xf32, #tpu.memory_space<vmem>>, vector<16xf32>,
      %mul3A_170 = arith.constant 16 : i32
      %mul3A_171 = arith.muli %scan3A_164, %mul3A_170 : i32
      %get3A_172 = arith.index_cast %mul3A_171 : i32 to index
      %get3A_173 = tpu.vector_load %arg14[%get3A_172] {strides = array<i32>} : memref<640xf32, #tpu.memory_space<vmem>>, vector<16xf32>,
      %add3A_174 = arith.addf %get3A_169, %get3A_173 : vector<16xf32>
      %swap3A = arith.index_cast %add3A_168 : i32 to index
      %swap3A_175 = tpu.vector_load %arg7[%swap3A] {strides = array<i32>} : memref<10240xf32, #tpu.memory_space<vmem>>, vector<16xf32>,
      tpu.vector_store %arg7[%swap3A], %add3A_174 {strides = array<i32>} : memref<10240xf32, #tpu.memory_space<vmem>>, vector<16xf32>,
      %scan3A_176 = arith.constant 0 : i32
      scf.yield %scan3A_176 : i32
    }
    %scan3A_38 = arith.constant 40 : i32
    %run_scoped3A_39 = arith.constant 3 : i32
    "tpu.region"() ({
      %run_scoped3A_164 = tpu.sem_alloc : memref<!tpu.dma_semaphore, #tpu.memory_space<semaphore_mem>>
      %dma_start3A = tpu.memref_slice %arg15[%run_scoped3A_39, %mul3A_22] : memref<16x10240xf32, #tpu.memory_space<vmem_shared>> -> memref<1x640xf32, #tpu.memory_space<vmem_shared>>
      %dma_start3A_165 = tpu.memref_squeeze %dma_start3A : memref<1x640xf32, #tpu.memory_space<vmem_shared>> -> memref<640xf32, #tpu.memory_space<vmem_shared>>
      %dma_start3A_166 = tpu.memref_slice %arg15[%run_scoped3A_39, %mul3A_22] : memref<16x10240xf32, #tpu.memory_space<vmem_shared>> -> memref<1x640xf32, #tpu.memory_space<vmem_shared>>
      %dma_start3A_167 = tpu.memref_squeeze %dma_start3A_166 : memref<1x640xf32, #tpu.memory_space<vmem_shared>> -> memref<640xf32, #tpu.memory_space<vmem_shared>>
      tpu.enqueue_dma source(%dma_start3A_167 : memref<640xf32, #tpu.memory_space<vmem_shared>>) target(%arg14 : memref<640xf32, #tpu.memory_space<vmem>>) target_semaphore(%run_scoped3A_164 : memref<!tpu.dma_semaphore, #tpu.memory_space<semaphore_mem>>)
      %dma_wait3A = tpu.memref_slice %arg15[%run_scoped3A_39, %mul3A_22] : memref<16x10240xf32, #tpu.memory_space<vmem_shared>> -> memref<1x640xf32, #tpu.memory_space<vmem_shared>>
      %dma_wait3A_168 = tpu.memref_squeeze %dma_wait3A : memref<1x640xf32, #tpu.memory_space<vmem_shared>> -> memref<640xf32, #tpu.memory_space<vmem_shared>>
      %dma_wait3A_169 = tpu.memref_slice %arg15[%run_scoped3A_39, %mul3A_22] : memref<16x10240xf32, #tpu.memory_space<vmem_shared>> -> memref<1x640xf32, #tpu.memory_space<vmem_shared>>
      %dma_wait3A_170 = tpu.memref_squeeze %dma_wait3A_169 : memref<1x640xf32, #tpu.memory_space<vmem_shared>> -> memref<640xf32, #tpu.memory_space<vmem_shared>>
      tpu.wait_dma2 semaphore(%run_scoped3A_164 : memref<!tpu.dma_semaphore, #tpu.memory_space<semaphore_mem>>) src(%dma_wait3A_170 : memref<640xf32, #tpu.memory_space<vmem_shared>>) dst(%arg14 : memref<640xf32, #tpu.memory_space<vmem>>)
      tpu.yield
    }) : () -> ()
    %scan3A_40 = arith.constant 0 : i32
    %scan3A_41 = arith.constant 0 : i32
    %scan3A_42 = arith.constant 40 : i32
    %scan3A_43 = arith.addi %scan3A_41, %scan3A_42 : i32
    %scan3A_44 = arith.constant 1 : i32
    %scan3A_45 = scf.for %scan3A_164 = %scan3A_41 to %scan3A_43 step %scan3A_44 iter_args(%scan3A_165 = %scan3A_40) -> (i32)  : i32 {
      %mul3A_166 = arith.constant 16 : i32
      %mul3A_167 = arith.muli %scan3A_164, %mul3A_166 : i32
      %add3A_168 = arith.addi %mul3A_22, %mul3A_167 : i32
      %get3A = arith.index_cast %add3A_168 : i32 to index
      %get3A_169 = tpu.vector_load %arg7[%get3A] {strides = array<i32>} : memref<10240xf32, #tpu.memory_space<vmem>>, vector<16xf32>,
      %mul3A_170 = arith.constant 16 : i32
      %mul3A_171 = arith.muli %scan3A_164, %mul3A_170 : i32
      %get3A_172 = arith.index_cast %mul3A_171 : i32 to index
      %get3A_173 = tpu.vector_load %arg14[%get3A_172] {strides = array<i32>} : memref<640xf32, #tpu.memory_space<vmem>>, vector<16xf32>,
      %add3A_174 = arith.addf %get3A_169, %get3A_173 : vector<16xf32>
      %swap3A = arith.index_cast %add3A_168 : i32 to index
      %swap3A_175 = tpu.vector_load %arg7[%swap3A] {strides = array<i32>} : memref<10240xf32, #tpu.memory_space<vmem>>, vector<16xf32>,
      tpu.vector_store %arg7[%swap3A], %add3A_174 {strides = array<i32>} : memref<10240xf32, #tpu.memory_space<vmem>>, vector<16xf32>,
      %scan3A_176 = arith.constant 0 : i32
      scf.yield %scan3A_176 : i32
    }
    %scan3A_46 = arith.constant 40 : i32
    %run_scoped3A_47 = arith.constant 4 : i32
    "tpu.region"() ({
      %run_scoped3A_164 = tpu.sem_alloc : memref<!tpu.dma_semaphore, #tpu.memory_space<semaphore_mem>>
      %dma_start3A = tpu.memref_slice %arg15[%run_scoped3A_47, %mul3A_22] : memref<16x10240xf32, #tpu.memory_space<vmem_shared>> -> memref<1x640xf32, #tpu.memory_space<vmem_shared>>
      %dma_start3A_165 = tpu.memref_squeeze %dma_start3A : memref<1x640xf32, #tpu.memory_space<vmem_shared>> -> memref<640xf32, #tpu.memory_space<vmem_shared>>
      %dma_start3A_166 = tpu.memref_slice %arg15[%run_scoped3A_47, %mul3A_22] : memref<16x10240xf32, #tpu.memory_space<vmem_shared>> -> memref<1x640xf32, #tpu.memory_space<vmem_shared>>
      %dma_start3A_167 = tpu.memref_squeeze %dma_start3A_166 : memref<1x640xf32, #tpu.memory_space<vmem_shared>> -> memref<640xf32, #tpu.memory_space<vmem_shared>>
      tpu.enqueue_dma source(%dma_start3A_167 : memref<640xf32, #tpu.memory_space<vmem_shared>>) target(%arg14 : memref<640xf32, #tpu.memory_space<vmem>>) target_semaphore(%run_scoped3A_164 : memref<!tpu.dma_semaphore, #tpu.memory_space<semaphore_mem>>)
      %dma_wait3A = tpu.memref_slice %arg15[%run_scoped3A_47, %mul3A_22] : memref<16x10240xf32, #tpu.memory_space<vmem_shared>> -> memref<1x640xf32, #tpu.memory_space<vmem_shared>>
      %dma_wait3A_168 = tpu.memref_squeeze %dma_wait3A : memref<1x640xf32, #tpu.memory_space<vmem_shared>> -> memref<640xf32, #tpu.memory_space<vmem_shared>>
      %dma_wait3A_169 = tpu.memref_slice %arg15[%run_scoped3A_47, %mul3A_22] : memref<16x10240xf32, #tpu.memory_space<vmem_shared>> -> memref<1x640xf32, #tpu.memory_space<vmem_shared>>
      %dma_wait3A_170 = tpu.memref_squeeze %dma_wait3A_169 : memref<1x640xf32, #tpu.memory_space<vmem_shared>> -> memref<640xf32, #tpu.memory_space<vmem_shared>>
      tpu.wait_dma2 semaphore(%run_scoped3A_164 : memref<!tpu.dma_semaphore, #tpu.memory_space<semaphore_mem>>) src(%dma_wait3A_170 : memref<640xf32, #tpu.memory_space<vmem_shared>>) dst(%arg14 : memref<640xf32, #tpu.memory_space<vmem>>)
      tpu.yield
    }) : () -> ()
    %scan3A_48 = arith.constant 0 : i32
    %scan3A_49 = arith.constant 0 : i32
    %scan3A_50 = arith.constant 40 : i32
    %scan3A_51 = arith.addi %scan3A_49, %scan3A_50 : i32
    %scan3A_52 = arith.constant 1 : i32
    %scan3A_53 = scf.for %scan3A_164 = %scan3A_49 to %scan3A_51 step %scan3A_52 iter_args(%scan3A_165 = %scan3A_48) -> (i32)  : i32 {
      %mul3A_166 = arith.constant 16 : i32
      %mul3A_167 = arith.muli %scan3A_164, %mul3A_166 : i32
      %add3A_168 = arith.addi %mul3A_22, %mul3A_167 : i32
      %get3A = arith.index_cast %add3A_168 : i32 to index
      %get3A_169 = tpu.vector_load %arg7[%get3A] {strides = array<i32>} : memref<10240xf32, #tpu.memory_space<vmem>>, vector<16xf32>,
      %mul3A_170 = arith.constant 16 : i32
      %mul3A_171 = arith.muli %scan3A_164, %mul3A_170 : i32
      %get3A_172 = arith.index_cast %mul3A_171 : i32 to index
      %get3A_173 = tpu.vector_load %arg14[%get3A_172] {strides = array<i32>} : memref<640xf32, #tpu.memory_space<vmem>>, vector<16xf32>,
      %add3A_174 = arith.addf %get3A_169, %get3A_173 : vector<16xf32>
      %swap3A = arith.index_cast %add3A_168 : i32 to index
      %swap3A_175 = tpu.vector_load %arg7[%swap3A] {strides = array<i32>} : memref<10240xf32, #tpu.memory_space<vmem>>, vector<16xf32>,
      tpu.vector_store %arg7[%swap3A], %add3A_174 {strides = array<i32>} : memref<10240xf32, #tpu.memory_space<vmem>>, vector<16xf32>,
      %scan3A_176 = arith.constant 0 : i32
      scf.yield %scan3A_176 : i32
    }
    %scan3A_54 = arith.constant 40 : i32
    %run_scoped3A_55 = arith.constant 5 : i32
    "tpu.region"() ({
      %run_scoped3A_164 = tpu.sem_alloc : memref<!tpu.dma_semaphore, #tpu.memory_space<semaphore_mem>>
      %dma_start3A = tpu.memref_slice %arg15[%run_scoped3A_55, %mul3A_22] : memref<16x10240xf32, #tpu.memory_space<vmem_shared>> -> memref<1x640xf32, #tpu.memory_space<vmem_shared>>
      %dma_start3A_165 = tpu.memref_squeeze %dma_start3A : memref<1x640xf32, #tpu.memory_space<vmem_shared>> -> memref<640xf32, #tpu.memory_space<vmem_shared>>
      %dma_start3A_166 = tpu.memref_slice %arg15[%run_scoped3A_55, %mul3A_22] : memref<16x10240xf32, #tpu.memory_space<vmem_shared>> -> memref<1x640xf32, #tpu.memory_space<vmem_shared>>
      %dma_start3A_167 = tpu.memref_squeeze %dma_start3A_166 : memref<1x640xf32, #tpu.memory_space<vmem_shared>> -> memref<640xf32, #tpu.memory_space<vmem_shared>>
      tpu.enqueue_dma source(%dma_start3A_167 : memref<640xf32, #tpu.memory_space<vmem_shared>>) target(%arg14 : memref<640xf32, #tpu.memory_space<vmem>>) target_semaphore(%run_scoped3A_164 : memref<!tpu.dma_semaphore, #tpu.memory_space<semaphore_mem>>)
      %dma_wait3A = tpu.memref_slice %arg15[%run_scoped3A_55, %mul3A_22] : memref<16x10240xf32, #tpu.memory_space<vmem_shared>> -> memref<1x640xf32, #tpu.memory_space<vmem_shared>>
      %dma_wait3A_168 = tpu.memref_squeeze %dma_wait3A : memref<1x640xf32, #tpu.memory_space<vmem_shared>> -> memref<640xf32, #tpu.memory_space<vmem_shared>>
      %dma_wait3A_169 = tpu.memref_slice %arg15[%run_scoped3A_55, %mul3A_22] : memref<16x10240xf32, #tpu.memory_space<vmem_shared>> -> memref<1x640xf32, #tpu.memory_space<vmem_shared>>
      %dma_wait3A_170 = tpu.memref_squeeze %dma_wait3A_169 : memref<1x640xf32, #tpu.memory_space<vmem_shared>> -> memref<640xf32, #tpu.memory_space<vmem_shared>>
      tpu.wait_dma2 semaphore(%run_scoped3A_164 : memref<!tpu.dma_semaphore, #tpu.memory_space<semaphore_mem>>) src(%dma_wait3A_170 : memref<640xf32, #tpu.memory_space<vmem_shared>>) dst(%arg14 : memref<640xf32, #tpu.memory_space<vmem>>)
      tpu.yield
    }) : () -> ()
    %scan3A_56 = arith.constant 0 : i32
    %scan3A_57 = arith.constant 0 : i32
    %scan3A_58 = arith.constant 40 : i32
    %scan3A_59 = arith.addi %scan3A_57, %scan3A_58 : i32
    %scan3A_60 = arith.constant 1 : i32
    %scan3A_61 = scf.for %scan3A_164 = %scan3A_57 to %scan3A_59 step %scan3A_60 iter_args(%scan3A_165 = %scan3A_56) -> (i32)  : i32 {
      %mul3A_166 = arith.constant 16 : i32
      %mul3A_167 = arith.muli %scan3A_164, %mul3A_166 : i32
      %add3A_168 = arith.addi %mul3A_22, %mul3A_167 : i32
      %get3A = arith.index_cast %add3A_168 : i32 to index
      %get3A_169 = tpu.vector_load %arg7[%get3A] {strides = array<i32>} : memref<10240xf32, #tpu.memory_space<vmem>>, vector<16xf32>,
      %mul3A_170 = arith.constant 16 : i32
      %mul3A_171 = arith.muli %scan3A_164, %mul3A_170 : i32
      %get3A_172 = arith.index_cast %mul3A_171 : i32 to index
      %get3A_173 = tpu.vector_load %arg14[%get3A_172] {strides = array<i32>} : memref<640xf32, #tpu.memory_space<vmem>>, vector<16xf32>,
      %add3A_174 = arith.addf %get3A_169, %get3A_173 : vector<16xf32>
      %swap3A = arith.index_cast %add3A_168 : i32 to index
      %swap3A_175 = tpu.vector_load %arg7[%swap3A] {strides = array<i32>} : memref<10240xf32, #tpu.memory_space<vmem>>, vector<16xf32>,
      tpu.vector_store %arg7[%swap3A], %add3A_174 {strides = array<i32>} : memref<10240xf32, #tpu.memory_space<vmem>>, vector<16xf32>,
      %scan3A_176 = arith.constant 0 : i32
      scf.yield %scan3A_176 : i32
    }
    %scan3A_62 = arith.constant 40 : i32
    %run_scoped3A_63 = arith.constant 6 : i32
    "tpu.region"() ({
      %run_scoped3A_164 = tpu.sem_alloc : memref<!tpu.dma_semaphore, #tpu.memory_space<semaphore_mem>>
      %dma_start3A = tpu.memref_slice %arg15[%run_scoped3A_63, %mul3A_22] : memref<16x10240xf32, #tpu.memory_space<vmem_shared>> -> memref<1x640xf32, #tpu.memory_space<vmem_shared>>
      %dma_start3A_165 = tpu.memref_squeeze %dma_start3A : memref<1x640xf32, #tpu.memory_space<vmem_shared>> -> memref<640xf32, #tpu.memory_space<vmem_shared>>
      %dma_start3A_166 = tpu.memref_slice %arg15[%run_scoped3A_63, %mul3A_22] : memref<16x10240xf32, #tpu.memory_space<vmem_shared>> -> memref<1x640xf32, #tpu.memory_space<vmem_shared>>
      %dma_start3A_167 = tpu.memref_squeeze %dma_start3A_166 : memref<1x640xf32, #tpu.memory_space<vmem_shared>> -> memref<640xf32, #tpu.memory_space<vmem_shared>>
      tpu.enqueue_dma source(%dma_start3A_167 : memref<640xf32, #tpu.memory_space<vmem_shared>>) target(%arg14 : memref<640xf32, #tpu.memory_space<vmem>>) target_semaphore(%run_scoped3A_164 : memref<!tpu.dma_semaphore, #tpu.memory_space<semaphore_mem>>)
      %dma_wait3A = tpu.memref_slice %arg15[%run_scoped3A_63, %mul3A_22] : memref<16x10240xf32, #tpu.memory_space<vmem_shared>> -> memref<1x640xf32, #tpu.memory_space<vmem_shared>>
      %dma_wait3A_168 = tpu.memref_squeeze %dma_wait3A : memref<1x640xf32, #tpu.memory_space<vmem_shared>> -> memref<640xf32, #tpu.memory_space<vmem_shared>>
      %dma_wait3A_169 = tpu.memref_slice %arg15[%run_scoped3A_63, %mul3A_22] : memref<16x10240xf32, #tpu.memory_space<vmem_shared>> -> memref<1x640xf32, #tpu.memory_space<vmem_shared>>
      %dma_wait3A_170 = tpu.memref_squeeze %dma_wait3A_169 : memref<1x640xf32, #tpu.memory_space<vmem_shared>> -> memref<640xf32, #tpu.memory_space<vmem_shared>>
      tpu.wait_dma2 semaphore(%run_scoped3A_164 : memref<!tpu.dma_semaphore, #tpu.memory_space<semaphore_mem>>) src(%dma_wait3A_170 : memref<640xf32, #tpu.memory_space<vmem_shared>>) dst(%arg14 : memref<640xf32, #tpu.memory_space<vmem>>)
      tpu.yield
    }) : () -> ()
    %scan3A_64 = arith.constant 0 : i32
    %scan3A_65 = arith.constant 0 : i32
    %scan3A_66 = arith.constant 40 : i32
    %scan3A_67 = arith.addi %scan3A_65, %scan3A_66 : i32
    %scan3A_68 = arith.constant 1 : i32
    %scan3A_69 = scf.for %scan3A_164 = %scan3A_65 to %scan3A_67 step %scan3A_68 iter_args(%scan3A_165 = %scan3A_64) -> (i32)  : i32 {
      %mul3A_166 = arith.constant 16 : i32
      %mul3A_167 = arith.muli %scan3A_164, %mul3A_166 : i32
      %add3A_168 = arith.addi %mul3A_22, %mul3A_167 : i32
      %get3A = arith.index_cast %add3A_168 : i32 to index
      %get3A_169 = tpu.vector_load %arg7[%get3A] {strides = array<i32>} : memref<10240xf32, #tpu.memory_space<vmem>>, vector<16xf32>,
      %mul3A_170 = arith.constant 16 : i32
      %mul3A_171 = arith.muli %scan3A_164, %mul3A_170 : i32
      %get3A_172 = arith.index_cast %mul3A_171 : i32 to index
      %get3A_173 = tpu.vector_load %arg14[%get3A_172] {strides = array<i32>} : memref<640xf32, #tpu.memory_space<vmem>>, vector<16xf32>,
      %add3A_174 = arith.addf %get3A_169, %get3A_173 : vector<16xf32>
      %swap3A = arith.index_cast %add3A_168 : i32 to index
      %swap3A_175 = tpu.vector_load %arg7[%swap3A] {strides = array<i32>} : memref<10240xf32, #tpu.memory_space<vmem>>, vector<16xf32>,
      tpu.vector_store %arg7[%swap3A], %add3A_174 {strides = array<i32>} : memref<10240xf32, #tpu.memory_space<vmem>>, vector<16xf32>,
      %scan3A_176 = arith.constant 0 : i32
      scf.yield %scan3A_176 : i32
    }
    %scan3A_70 = arith.constant 40 : i32
    %run_scoped3A_71 = arith.constant 7 : i32
    "tpu.region"() ({
      %run_scoped3A_164 = tpu.sem_alloc : memref<!tpu.dma_semaphore, #tpu.memory_space<semaphore_mem>>
      %dma_start3A = tpu.memref_slice %arg15[%run_scoped3A_71, %mul3A_22] : memref<16x10240xf32, #tpu.memory_space<vmem_shared>> -> memref<1x640xf32, #tpu.memory_space<vmem_shared>>
      %dma_start3A_165 = tpu.memref_squeeze %dma_start3A : memref<1x640xf32, #tpu.memory_space<vmem_shared>> -> memref<640xf32, #tpu.memory_space<vmem_shared>>
      %dma_start3A_166 = tpu.memref_slice %arg15[%run_scoped3A_71, %mul3A_22] : memref<16x10240xf32, #tpu.memory_space<vmem_shared>> -> memref<1x640xf32, #tpu.memory_space<vmem_shared>>
      %dma_start3A_167 = tpu.memref_squeeze %dma_start3A_166 : memref<1x640xf32, #tpu.memory_space<vmem_shared>> -> memref<640xf32, #tpu.memory_space<vmem_shared>>
      tpu.enqueue_dma source(%dma_start3A_167 : memref<640xf32, #tpu.memory_space<vmem_shared>>) target(%arg14 : memref<640xf32, #tpu.memory_space<vmem>>) target_semaphore(%run_scoped3A_164 : memref<!tpu.dma_semaphore, #tpu.memory_space<semaphore_mem>>)
      %dma_wait3A = tpu.memref_slice %arg15[%run_scoped3A_71, %mul3A_22] : memref<16x10240xf32, #tpu.memory_space<vmem_shared>> -> memref<1x640xf32, #tpu.memory_space<vmem_shared>>
      %dma_wait3A_168 = tpu.memref_squeeze %dma_wait3A : memref<1x640xf32, #tpu.memory_space<vmem_shared>> -> memref<640xf32, #tpu.memory_space<vmem_shared>>
      %dma_wait3A_169 = tpu.memref_slice %arg15[%run_scoped3A_71, %mul3A_22] : memref<16x10240xf32, #tpu.memory_space<vmem_shared>> -> memref<1x640xf32, #tpu.memory_space<vmem_shared>>
      %dma_wait3A_170 = tpu.memref_squeeze %dma_wait3A_169 : memref<1x640xf32, #tpu.memory_space<vmem_shared>> -> memref<640xf32, #tpu.memory_space<vmem_shared>>
      tpu.wait_dma2 semaphore(%run_scoped3A_164 : memref<!tpu.dma_semaphore, #tpu.memory_space<semaphore_mem>>) src(%dma_wait3A_170 : memref<640xf32, #tpu.memory_space<vmem_shared>>) dst(%arg14 : memref<640xf32, #tpu.memory_space<vmem>>)
      tpu.yield
    }) : () -> ()
    %scan3A_72 = arith.constant 0 : i32
    %scan3A_73 = arith.constant 0 : i32
    %scan3A_74 = arith.constant 40 : i32
    %scan3A_75 = arith.addi %scan3A_73, %scan3A_74 : i32
    %scan3A_76 = arith.constant 1 : i32
    %scan3A_77 = scf.for %scan3A_164 = %scan3A_73 to %scan3A_75 step %scan3A_76 iter_args(%scan3A_165 = %scan3A_72) -> (i32)  : i32 {
      %mul3A_166 = arith.constant 16 : i32
      %mul3A_167 = arith.muli %scan3A_164, %mul3A_166 : i32
      %add3A_168 = arith.addi %mul3A_22, %mul3A_167 : i32
      %get3A = arith.index_cast %add3A_168 : i32 to index
      %get3A_169 = tpu.vector_load %arg7[%get3A] {strides = array<i32>} : memref<10240xf32, #tpu.memory_space<vmem>>, vector<16xf32>,
      %mul3A_170 = arith.constant 16 : i32
      %mul3A_171 = arith.muli %scan3A_164, %mul3A_170 : i32
      %get3A_172 = arith.index_cast %mul3A_171 : i32 to index
      %get3A_173 = tpu.vector_load %arg14[%get3A_172] {strides = array<i32>} : memref<640xf32, #tpu.memory_space<vmem>>, vector<16xf32>,
      %add3A_174 = arith.addf %get3A_169, %get3A_173 : vector<16xf32>
      %swap3A = arith.index_cast %add3A_168 : i32 to index
      %swap3A_175 = tpu.vector_load %arg7[%swap3A] {strides = array<i32>} : memref<10240xf32, #tpu.memory_space<vmem>>, vector<16xf32>,
      tpu.vector_store %arg7[%swap3A], %add3A_174 {strides = array<i32>} : memref<10240xf32, #tpu.memory_space<vmem>>, vector<16xf32>,
      %scan3A_176 = arith.constant 0 : i32
      scf.yield %scan3A_176 : i32
    }
    %scan3A_78 = arith.constant 40 : i32
    %run_scoped3A_79 = arith.constant 8 : i32
    "tpu.region"() ({
      %run_scoped3A_164 = tpu.sem_alloc : memref<!tpu.dma_semaphore, #tpu.memory_space<semaphore_mem>>
      %dma_start3A = tpu.memref_slice %arg15[%run_scoped3A_79, %mul3A_22] : memref<16x10240xf32, #tpu.memory_space<vmem_shared>> -> memref<1x640xf32, #tpu.memory_space<vmem_shared>>
      %dma_start3A_165 = tpu.memref_squeeze %dma_start3A : memref<1x640xf32, #tpu.memory_space<vmem_shared>> -> memref<640xf32, #tpu.memory_space<vmem_shared>>
      %dma_start3A_166 = tpu.memref_slice %arg15[%run_scoped3A_79, %mul3A_22] : memref<16x10240xf32, #tpu.memory_space<vmem_shared>> -> memref<1x640xf32, #tpu.memory_space<vmem_shared>>
      %dma_start3A_167 = tpu.memref_squeeze %dma_start3A_166 : memref<1x640xf32, #tpu.memory_space<vmem_shared>> -> memref<640xf32, #tpu.memory_space<vmem_shared>>
      tpu.enqueue_dma source(%dma_start3A_167 : memref<640xf32, #tpu.memory_space<vmem_shared>>) target(%arg14 : memref<640xf32, #tpu.memory_space<vmem>>) target_semaphore(%run_scoped3A_164 : memref<!tpu.dma_semaphore, #tpu.memory_space<semaphore_mem>>)
      %dma_wait3A = tpu.memref_slice %arg15[%run_scoped3A_79, %mul3A_22] : memref<16x10240xf32, #tpu.memory_space<vmem_shared>> -> memref<1x640xf32, #tpu.memory_space<vmem_shared>>
      %dma_wait3A_168 = tpu.memref_squeeze %dma_wait3A : memref<1x640xf32, #tpu.memory_space<vmem_shared>> -> memref<640xf32, #tpu.memory_space<vmem_shared>>
      %dma_wait3A_169 = tpu.memref_slice %arg15[%run_scoped3A_79, %mul3A_22] : memref<16x10240xf32, #tpu.memory_space<vmem_shared>> -> memref<1x640xf32, #tpu.memory_space<vmem_shared>>
      %dma_wait3A_170 = tpu.memref_squeeze %dma_wait3A_169 : memref<1x640xf32, #tpu.memory_space<vmem_shared>> -> memref<640xf32, #tpu.memory_space<vmem_shared>>
      tpu.wait_dma2 semaphore(%run_scoped3A_164 : memref<!tpu.dma_semaphore, #tpu.memory_space<semaphore_mem>>) src(%dma_wait3A_170 : memref<640xf32, #tpu.memory_space<vmem_shared>>) dst(%arg14 : memref<640xf32, #tpu.memory_space<vmem>>)
      tpu.yield
    }) : () -> ()
    %scan3A_80 = arith.constant 0 : i32
    %scan3A_81 = arith.constant 0 : i32
    %scan3A_82 = arith.constant 40 : i32
    %scan3A_83 = arith.addi %scan3A_81, %scan3A_82 : i32
    %scan3A_84 = arith.constant 1 : i32
    %scan3A_85 = scf.for %scan3A_164 = %scan3A_81 to %scan3A_83 step %scan3A_84 iter_args(%scan3A_165 = %scan3A_80) -> (i32)  : i32 {
      %mul3A_166 = arith.constant 16 : i32
      %mul3A_167 = arith.muli %scan3A_164, %mul3A_166 : i32
      %add3A_168 = arith.addi %mul3A_22, %mul3A_167 : i32
      %get3A = arith.index_cast %add3A_168 : i32 to index
      %get3A_169 = tpu.vector_load %arg7[%get3A] {strides = array<i32>} : memref<10240xf32, #tpu.memory_space<vmem>>, vector<16xf32>,
      %mul3A_170 = arith.constant 16 : i32
      %mul3A_171 = arith.muli %scan3A_164, %mul3A_170 : i32
      %get3A_172 = arith.index_cast %mul3A_171 : i32 to index
      %get3A_173 = tpu.vector_load %arg14[%get3A_172] {strides = array<i32>} : memref<640xf32, #tpu.memory_space<vmem>>, vector<16xf32>,
      %add3A_174 = arith.addf %get3A_169, %get3A_173 : vector<16xf32>
      %swap3A = arith.index_cast %add3A_168 : i32 to index
      %swap3A_175 = tpu.vector_load %arg7[%swap3A] {strides = array<i32>} : memref<10240xf32, #tpu.memory_space<vmem>>, vector<16xf32>,
      tpu.vector_store %arg7[%swap3A], %add3A_174 {strides = array<i32>} : memref<10240xf32, #tpu.memory_space<vmem>>, vector<16xf32>,
      %scan3A_176 = arith.constant 0 : i32
      scf.yield %scan3A_176 : i32
    }
    %scan3A_86 = arith.constant 40 : i32
    %run_scoped3A_87 = arith.constant 9 : i32
    "tpu.region"() ({
      %run_scoped3A_164 = tpu.sem_alloc : memref<!tpu.dma_semaphore, #tpu.memory_space<semaphore_mem>>
      %dma_start3A = tpu.memref_slice %arg15[%run_scoped3A_87, %mul3A_22] : memref<16x10240xf32, #tpu.memory_space<vmem_shared>> -> memref<1x640xf32, #tpu.memory_space<vmem_shared>>
      %dma_start3A_165 = tpu.memref_squeeze %dma_start3A : memref<1x640xf32, #tpu.memory_space<vmem_shared>> -> memref<640xf32, #tpu.memory_space<vmem_shared>>
      %dma_start3A_166 = tpu.memref_slice %arg15[%run_scoped3A_87, %mul3A_22] : memref<16x10240xf32, #tpu.memory_space<vmem_shared>> -> memref<1x640xf32, #tpu.memory_space<vmem_shared>>
      %dma_start3A_167 = tpu.memref_squeeze %dma_start3A_166 : memref<1x640xf32, #tpu.memory_space<vmem_shared>> -> memref<640xf32, #tpu.memory_space<vmem_shared>>
      tpu.enqueue_dma source(%dma_start3A_167 : memref<640xf32, #tpu.memory_space<vmem_shared>>) target(%arg14 : memref<640xf32, #tpu.memory_space<vmem>>) target_semaphore(%run_scoped3A_164 : memref<!tpu.dma_semaphore, #tpu.memory_space<semaphore_mem>>)
      %dma_wait3A = tpu.memref_slice %arg15[%run_scoped3A_87, %mul3A_22] : memref<16x10240xf32, #tpu.memory_space<vmem_shared>> -> memref<1x640xf32, #tpu.memory_space<vmem_shared>>
      %dma_wait3A_168 = tpu.memref_squeeze %dma_wait3A : memref<1x640xf32, #tpu.memory_space<vmem_shared>> -> memref<640xf32, #tpu.memory_space<vmem_shared>>
      %dma_wait3A_169 = tpu.memref_slice %arg15[%run_scoped3A_87, %mul3A_22] : memref<16x10240xf32, #tpu.memory_space<vmem_shared>> -> memref<1x640xf32, #tpu.memory_space<vmem_shared>>
      %dma_wait3A_170 = tpu.memref_squeeze %dma_wait3A_169 : memref<1x640xf32, #tpu.memory_space<vmem_shared>> -> memref<640xf32, #tpu.memory_space<vmem_shared>>
      tpu.wait_dma2 semaphore(%run_scoped3A_164 : memref<!tpu.dma_semaphore, #tpu.memory_space<semaphore_mem>>) src(%dma_wait3A_170 : memref<640xf32, #tpu.memory_space<vmem_shared>>) dst(%arg14 : memref<640xf32, #tpu.memory_space<vmem>>)
      tpu.yield
    }) : () -> ()
    %scan3A_88 = arith.constant 0 : i32
    %scan3A_89 = arith.constant 0 : i32
    %scan3A_90 = arith.constant 40 : i32
    %scan3A_91 = arith.addi %scan3A_89, %scan3A_90 : i32
    %scan3A_92 = arith.constant 1 : i32
    %scan3A_93 = scf.for %scan3A_164 = %scan3A_89 to %scan3A_91 step %scan3A_92 iter_args(%scan3A_165 = %scan3A_88) -> (i32)  : i32 {
      %mul3A_166 = arith.constant 16 : i32
      %mul3A_167 = arith.muli %scan3A_164, %mul3A_166 : i32
      %add3A_168 = arith.addi %mul3A_22, %mul3A_167 : i32
      %get3A = arith.index_cast %add3A_168 : i32 to index
      %get3A_169 = tpu.vector_load %arg7[%get3A] {strides = array<i32>} : memref<10240xf32, #tpu.memory_space<vmem>>, vector<16xf32>,
      %mul3A_170 = arith.constant 16 : i32
      %mul3A_171 = arith.muli %scan3A_164, %mul3A_170 : i32
      %get3A_172 = arith.index_cast %mul3A_171 : i32 to index
      %get3A_173 = tpu.vector_load %arg14[%get3A_172] {strides = array<i32>} : memref<640xf32, #tpu.memory_space<vmem>>, vector<16xf32>,
      %add3A_174 = arith.addf %get3A_169, %get3A_173 : vector<16xf32>
      %swap3A = arith.index_cast %add3A_168 : i32 to index
      %swap3A_175 = tpu.vector_load %arg7[%swap3A] {strides = array<i32>} : memref<10240xf32, #tpu.memory_space<vmem>>, vector<16xf32>,
      tpu.vector_store %arg7[%swap3A], %add3A_174 {strides = array<i32>} : memref<10240xf32, #tpu.memory_space<vmem>>, vector<16xf32>,
      %scan3A_176 = arith.constant 0 : i32
      scf.yield %scan3A_176 : i32
    }
    %scan3A_94 = arith.constant 40 : i32
    %run_scoped3A_95 = arith.constant 10 : i32
    "tpu.region"() ({
      %run_scoped3A_164 = tpu.sem_alloc : memref<!tpu.dma_semaphore, #tpu.memory_space<semaphore_mem>>
      %dma_start3A = tpu.memref_slice %arg15[%run_scoped3A_95, %mul3A_22] : memref<16x10240xf32, #tpu.memory_space<vmem_shared>> -> memref<1x640xf32, #tpu.memory_space<vmem_shared>>
      %dma_start3A_165 = tpu.memref_squeeze %dma_start3A : memref<1x640xf32, #tpu.memory_space<vmem_shared>> -> memref<640xf32, #tpu.memory_space<vmem_shared>>
      %dma_start3A_166 = tpu.memref_slice %arg15[%run_scoped3A_95, %mul3A_22] : memref<16x10240xf32, #tpu.memory_space<vmem_shared>> -> memref<1x640xf32, #tpu.memory_space<vmem_shared>>
      %dma_start3A_167 = tpu.memref_squeeze %dma_start3A_166 : memref<1x640xf32, #tpu.memory_space<vmem_shared>> -> memref<640xf32, #tpu.memory_space<vmem_shared>>
      tpu.enqueue_dma source(%dma_start3A_167 : memref<640xf32, #tpu.memory_space<vmem_shared>>) target(%arg14 : memref<640xf32, #tpu.memory_space<vmem>>) target_semaphore(%run_scoped3A_164 : memref<!tpu.dma_semaphore, #tpu.memory_space<semaphore_mem>>)
      %dma_wait3A = tpu.memref_slice %arg15[%run_scoped3A_95, %mul3A_22] : memref<16x10240xf32, #tpu.memory_space<vmem_shared>> -> memref<1x640xf32, #tpu.memory_space<vmem_shared>>
      %dma_wait3A_168 = tpu.memref_squeeze %dma_wait3A : memref<1x640xf32, #tpu.memory_space<vmem_shared>> -> memref<640xf32, #tpu.memory_space<vmem_shared>>
      %dma_wait3A_169 = tpu.memref_slice %arg15[%run_scoped3A_95, %mul3A_22] : memref<16x10240xf32, #tpu.memory_space<vmem_shared>> -> memref<1x640xf32, #tpu.memory_space<vmem_shared>>
      %dma_wait3A_170 = tpu.memref_squeeze %dma_wait3A_169 : memref<1x640xf32, #tpu.memory_space<vmem_shared>> -> memref<640xf32, #tpu.memory_space<vmem_shared>>
      tpu.wait_dma2 semaphore(%run_scoped3A_164 : memref<!tpu.dma_semaphore, #tpu.memory_space<semaphore_mem>>) src(%dma_wait3A_170 : memref<640xf32, #tpu.memory_space<vmem_shared>>) dst(%arg14 : memref<640xf32, #tpu.memory_space<vmem>>)
      tpu.yield
    }) : () -> ()
    %scan3A_96 = arith.constant 0 : i32
    %scan3A_97 = arith.constant 0 : i32
    %scan3A_98 = arith.constant 40 : i32
    %scan3A_99 = arith.addi %scan3A_97, %scan3A_98 : i32
    %scan3A_100 = arith.constant 1 : i32
    %scan3A_101 = scf.for %scan3A_164 = %scan3A_97 to %scan3A_99 step %scan3A_100 iter_args(%scan3A_165 = %scan3A_96) -> (i32)  : i32 {
      %mul3A_166 = arith.constant 16 : i32
      %mul3A_167 = arith.muli %scan3A_164, %mul3A_166 : i32
      %add3A_168 = arith.addi %mul3A_22, %mul3A_167 : i32
      %get3A = arith.index_cast %add3A_168 : i32 to index
      %get3A_169 = tpu.vector_load %arg7[%get3A] {strides = array<i32>} : memref<10240xf32, #tpu.memory_space<vmem>>, vector<16xf32>,
      %mul3A_170 = arith.constant 16 : i32
      %mul3A_171 = arith.muli %scan3A_164, %mul3A_170 : i32
      %get3A_172 = arith.index_cast %mul3A_171 : i32 to index
      %get3A_173 = tpu.vector_load %arg14[%get3A_172] {strides = array<i32>} : memref<640xf32, #tpu.memory_space<vmem>>, vector<16xf32>,
      %add3A_174 = arith.addf %get3A_169, %get3A_173 : vector<16xf32>
      %swap3A = arith.index_cast %add3A_168 : i32 to index
      %swap3A_175 = tpu.vector_load %arg7[%swap3A] {strides = array<i32>} : memref<10240xf32, #tpu.memory_space<vmem>>, vector<16xf32>,
      tpu.vector_store %arg7[%swap3A], %add3A_174 {strides = array<i32>} : memref<10240xf32, #tpu.memory_space<vmem>>, vector<16xf32>,
      %scan3A_176 = arith.constant 0 : i32
      scf.yield %scan3A_176 : i32
    }
    %scan3A_102 = arith.constant 40 : i32
    %run_scoped3A_103 = arith.constant 11 : i32
    "tpu.region"() ({
      %run_scoped3A_164 = tpu.sem_alloc : memref<!tpu.dma_semaphore, #tpu.memory_space<semaphore_mem>>
      %dma_start3A = tpu.memref_slice %arg15[%run_scoped3A_103, %mul3A_22] : memref<16x10240xf32, #tpu.memory_space<vmem_shared>> -> memref<1x640xf32, #tpu.memory_space<vmem_shared>>
      %dma_start3A_165 = tpu.memref_squeeze %dma_start3A : memref<1x640xf32, #tpu.memory_space<vmem_shared>> -> memref<640xf32, #tpu.memory_space<vmem_shared>>
      %dma_start3A_166 = tpu.memref_slice %arg15[%run_scoped3A_103, %mul3A_22] : memref<16x10240xf32, #tpu.memory_space<vmem_shared>> -> memref<1x640xf32, #tpu.memory_space<vmem_shared>>
      %dma_start3A_167 = tpu.memref_squeeze %dma_start3A_166 : memref<1x640xf32, #tpu.memory_space<vmem_shared>> -> memref<640xf32, #tpu.memory_space<vmem_shared>>
      tpu.enqueue_dma source(%dma_start3A_167 : memref<640xf32, #tpu.memory_space<vmem_shared>>) target(%arg14 : memref<640xf32, #tpu.memory_space<vmem>>) target_semaphore(%run_scoped3A_164 : memref<!tpu.dma_semaphore, #tpu.memory_space<semaphore_mem>>)
      %dma_wait3A = tpu.memref_slice %arg15[%run_scoped3A_103, %mul3A_22] : memref<16x10240xf32, #tpu.memory_space<vmem_shared>> -> memref<1x640xf32, #tpu.memory_space<vmem_shared>>
      %dma_wait3A_168 = tpu.memref_squeeze %dma_wait3A : memref<1x640xf32, #tpu.memory_space<vmem_shared>> -> memref<640xf32, #tpu.memory_space<vmem_shared>>
      %dma_wait3A_169 = tpu.memref_slice %arg15[%run_scoped3A_103, %mul3A_22] : memref<16x10240xf32, #tpu.memory_space<vmem_shared>> -> memref<1x640xf32, #tpu.memory_space<vmem_shared>>
      %dma_wait3A_170 = tpu.memref_squeeze %dma_wait3A_169 : memref<1x640xf32, #tpu.memory_space<vmem_shared>> -> memref<640xf32, #tpu.memory_space<vmem_shared>>
      tpu.wait_dma2 semaphore(%run_scoped3A_164 : memref<!tpu.dma_semaphore, #tpu.memory_space<semaphore_mem>>) src(%dma_wait3A_170 : memref<640xf32, #tpu.memory_space<vmem_shared>>) dst(%arg14 : memref<640xf32, #tpu.memory_space<vmem>>)
      tpu.yield
    }) : () -> ()
    %scan3A_104 = arith.constant 0 : i32
    %scan3A_105 = arith.constant 0 : i32
    %scan3A_106 = arith.constant 40 : i32
    %scan3A_107 = arith.addi %scan3A_105, %scan3A_106 : i32
    %scan3A_108 = arith.constant 1 : i32
    %scan3A_109 = scf.for %scan3A_164 = %scan3A_105 to %scan3A_107 step %scan3A_108 iter_args(%scan3A_165 = %scan3A_104) -> (i32)  : i32 {
      %mul3A_166 = arith.constant 16 : i32
      %mul3A_167 = arith.muli %scan3A_164, %mul3A_166 : i32
      %add3A_168 = arith.addi %mul3A_22, %mul3A_167 : i32
      %get3A = arith.index_cast %add3A_168 : i32 to index
      %get3A_169 = tpu.vector_load %arg7[%get3A] {strides = array<i32>} : memref<10240xf32, #tpu.memory_space<vmem>>, vector<16xf32>,
      %mul3A_170 = arith.constant 16 : i32
      %mul3A_171 = arith.muli %scan3A_164, %mul3A_170 : i32
      %get3A_172 = arith.index_cast %mul3A_171 : i32 to index
      %get3A_173 = tpu.vector_load %arg14[%get3A_172] {strides = array<i32>} : memref<640xf32, #tpu.memory_space<vmem>>, vector<16xf32>,
      %add3A_174 = arith.addf %get3A_169, %get3A_173 : vector<16xf32>
      %swap3A = arith.index_cast %add3A_168 : i32 to index
      %swap3A_175 = tpu.vector_load %arg7[%swap3A] {strides = array<i32>} : memref<10240xf32, #tpu.memory_space<vmem>>, vector<16xf32>,
      tpu.vector_store %arg7[%swap3A], %add3A_174 {strides = array<i32>} : memref<10240xf32, #tpu.memory_space<vmem>>, vector<16xf32>,
      %scan3A_176 = arith.constant 0 : i32
      scf.yield %scan3A_176 : i32
    }
    %scan3A_110 = arith.constant 40 : i32
    %run_scoped3A_111 = arith.constant 12 : i32
    "tpu.region"() ({
      %run_scoped3A_164 = tpu.sem_alloc : memref<!tpu.dma_semaphore, #tpu.memory_space<semaphore_mem>>
      %dma_start3A = tpu.memref_slice %arg15[%run_scoped3A_111, %mul3A_22] : memref<16x10240xf32, #tpu.memory_space<vmem_shared>> -> memref<1x640xf32, #tpu.memory_space<vmem_shared>>
      %dma_start3A_165 = tpu.memref_squeeze %dma_start3A : memref<1x640xf32, #tpu.memory_space<vmem_shared>> -> memref<640xf32, #tpu.memory_space<vmem_shared>>
      %dma_start3A_166 = tpu.memref_slice %arg15[%run_scoped3A_111, %mul3A_22] : memref<16x10240xf32, #tpu.memory_space<vmem_shared>> -> memref<1x640xf32, #tpu.memory_space<vmem_shared>>
      %dma_start3A_167 = tpu.memref_squeeze %dma_start3A_166 : memref<1x640xf32, #tpu.memory_space<vmem_shared>> -> memref<640xf32, #tpu.memory_space<vmem_shared>>
      tpu.enqueue_dma source(%dma_start3A_167 : memref<640xf32, #tpu.memory_space<vmem_shared>>) target(%arg14 : memref<640xf32, #tpu.memory_space<vmem>>) target_semaphore(%run_scoped3A_164 : memref<!tpu.dma_semaphore, #tpu.memory_space<semaphore_mem>>)
      %dma_wait3A = tpu.memref_slice %arg15[%run_scoped3A_111, %mul3A_22] : memref<16x10240xf32, #tpu.memory_space<vmem_shared>> -> memref<1x640xf32, #tpu.memory_space<vmem_shared>>
      %dma_wait3A_168 = tpu.memref_squeeze %dma_wait3A : memref<1x640xf32, #tpu.memory_space<vmem_shared>> -> memref<640xf32, #tpu.memory_space<vmem_shared>>
      %dma_wait3A_169 = tpu.memref_slice %arg15[%run_scoped3A_111, %mul3A_22] : memref<16x10240xf32, #tpu.memory_space<vmem_shared>> -> memref<1x640xf32, #tpu.memory_space<vmem_shared>>
      %dma_wait3A_170 = tpu.memref_squeeze %dma_wait3A_169 : memref<1x640xf32, #tpu.memory_space<vmem_shared>> -> memref<640xf32, #tpu.memory_space<vmem_shared>>
      tpu.wait_dma2 semaphore(%run_scoped3A_164 : memref<!tpu.dma_semaphore, #tpu.memory_space<semaphore_mem>>) src(%dma_wait3A_170 : memref<640xf32, #tpu.memory_space<vmem_shared>>) dst(%arg14 : memref<640xf32, #tpu.memory_space<vmem>>)
      tpu.yield
    }) : () -> ()
    %scan3A_112 = arith.constant 0 : i32
    %scan3A_113 = arith.constant 0 : i32
    %scan3A_114 = arith.constant 40 : i32
    %scan3A_115 = arith.addi %scan3A_113, %scan3A_114 : i32
    %scan3A_116 = arith.constant 1 : i32
    %scan3A_117 = scf.for %scan3A_164 = %scan3A_113 to %scan3A_115 step %scan3A_116 iter_args(%scan3A_165 = %scan3A_112) -> (i32)  : i32 {
      %mul3A_166 = arith.constant 16 : i32
      %mul3A_167 = arith.muli %scan3A_164, %mul3A_166 : i32
      %add3A_168 = arith.addi %mul3A_22, %mul3A_167 : i32
      %get3A = arith.index_cast %add3A_168 : i32 to index
      %get3A_169 = tpu.vector_load %arg7[%get3A] {strides = array<i32>} : memref<10240xf32, #tpu.memory_space<vmem>>, vector<16xf32>,
      %mul3A_170 = arith.constant 16 : i32
      %mul3A_171 = arith.muli %scan3A_164, %mul3A_170 : i32
      %get3A_172 = arith.index_cast %mul3A_171 : i32 to index
      %get3A_173 = tpu.vector_load %arg14[%get3A_172] {strides = array<i32>} : memref<640xf32, #tpu.memory_space<vmem>>, vector<16xf32>,
      %add3A_174 = arith.addf %get3A_169, %get3A_173 : vector<16xf32>
      %swap3A = arith.index_cast %add3A_168 : i32 to index
      %swap3A_175 = tpu.vector_load %arg7[%swap3A] {strides = array<i32>} : memref<10240xf32, #tpu.memory_space<vmem>>, vector<16xf32>,
      tpu.vector_store %arg7[%swap3A], %add3A_174 {strides = array<i32>} : memref<10240xf32, #tpu.memory_space<vmem>>, vector<16xf32>,
      %scan3A_176 = arith.constant 0 : i32
      scf.yield %scan3A_176 : i32
    }
    %scan3A_118 = arith.constant 40 : i32
    %run_scoped3A_119 = arith.constant 13 : i32
    "tpu.region"() ({
      %run_scoped3A_164 = tpu.sem_alloc : memref<!tpu.dma_semaphore, #tpu.memory_space<semaphore_mem>>
      %dma_start3A = tpu.memref_slice %arg15[%run_scoped3A_119, %mul3A_22] : memref<16x10240xf32, #tpu.memory_space<vmem_shared>> -> memref<1x640xf32, #tpu.memory_space<vmem_shared>>
      %dma_start3A_165 = tpu.memref_squeeze %dma_start3A : memref<1x640xf32, #tpu.memory_space<vmem_shared>> -> memref<640xf32, #tpu.memory_space<vmem_shared>>
      %dma_start3A_166 = tpu.memref_slice %arg15[%run_scoped3A_119, %mul3A_22] : memref<16x10240xf32, #tpu.memory_space<vmem_shared>> -> memref<1x640xf32, #tpu.memory_space<vmem_shared>>
      %dma_start3A_167 = tpu.memref_squeeze %dma_start3A_166 : memref<1x640xf32, #tpu.memory_space<vmem_shared>> -> memref<640xf32, #tpu.memory_space<vmem_shared>>
      tpu.enqueue_dma source(%dma_start3A_167 : memref<640xf32, #tpu.memory_space<vmem_shared>>) target(%arg14 : memref<640xf32, #tpu.memory_space<vmem>>) target_semaphore(%run_scoped3A_164 : memref<!tpu.dma_semaphore, #tpu.memory_space<semaphore_mem>>)
      %dma_wait3A = tpu.memref_slice %arg15[%run_scoped3A_119, %mul3A_22] : memref<16x10240xf32, #tpu.memory_space<vmem_shared>> -> memref<1x640xf32, #tpu.memory_space<vmem_shared>>
      %dma_wait3A_168 = tpu.memref_squeeze %dma_wait3A : memref<1x640xf32, #tpu.memory_space<vmem_shared>> -> memref<640xf32, #tpu.memory_space<vmem_shared>>
      %dma_wait3A_169 = tpu.memref_slice %arg15[%run_scoped3A_119, %mul3A_22] : memref<16x10240xf32, #tpu.memory_space<vmem_shared>> -> memref<1x640xf32, #tpu.memory_space<vmem_shared>>
      %dma_wait3A_170 = tpu.memref_squeeze %dma_wait3A_169 : memref<1x640xf32, #tpu.memory_space<vmem_shared>> -> memref<640xf32, #tpu.memory_space<vmem_shared>>
      tpu.wait_dma2 semaphore(%run_scoped3A_164 : memref<!tpu.dma_semaphore, #tpu.memory_space<semaphore_mem>>) src(%dma_wait3A_170 : memref<640xf32, #tpu.memory_space<vmem_shared>>) dst(%arg14 : memref<640xf32, #tpu.memory_space<vmem>>)
      tpu.yield
    }) : () -> ()
    %scan3A_120 = arith.constant 0 : i32
    %scan3A_121 = arith.constant 0 : i32
    %scan3A_122 = arith.constant 40 : i32
    %scan3A_123 = arith.addi %scan3A_121, %scan3A_122 : i32
    %scan3A_124 = arith.constant 1 : i32
    %scan3A_125 = scf.for %scan3A_164 = %scan3A_121 to %scan3A_123 step %scan3A_124 iter_args(%scan3A_165 = %scan3A_120) -> (i32)  : i32 {
      %mul3A_166 = arith.constant 16 : i32
      %mul3A_167 = arith.muli %scan3A_164, %mul3A_166 : i32
      %add3A_168 = arith.addi %mul3A_22, %mul3A_167 : i32
      %get3A = arith.index_cast %add3A_168 : i32 to index
      %get3A_169 = tpu.vector_load %arg7[%get3A] {strides = array<i32>} : memref<10240xf32, #tpu.memory_space<vmem>>, vector<16xf32>,
      %mul3A_170 = arith.constant 16 : i32
      %mul3A_171 = arith.muli %scan3A_164, %mul3A_170 : i32
      %get3A_172 = arith.index_cast %mul3A_171 : i32 to index
      %get3A_173 = tpu.vector_load %arg14[%get3A_172] {strides = array<i32>} : memref<640xf32, #tpu.memory_space<vmem>>, vector<16xf32>,
      %add3A_174 = arith.addf %get3A_169, %get3A_173 : vector<16xf32>
      %swap3A = arith.index_cast %add3A_168 : i32 to index
      %swap3A_175 = tpu.vector_load %arg7[%swap3A] {strides = array<i32>} : memref<10240xf32, #tpu.memory_space<vmem>>, vector<16xf32>,
      tpu.vector_store %arg7[%swap3A], %add3A_174 {strides = array<i32>} : memref<10240xf32, #tpu.memory_space<vmem>>, vector<16xf32>,
      %scan3A_176 = arith.constant 0 : i32
      scf.yield %scan3A_176 : i32
    }
    %scan3A_126 = arith.constant 40 : i32
    %run_scoped3A_127 = arith.constant 14 : i32
    "tpu.region"() ({
      %run_scoped3A_164 = tpu.sem_alloc : memref<!tpu.dma_semaphore, #tpu.memory_space<semaphore_mem>>
      %dma_start3A = tpu.memref_slice %arg15[%run_scoped3A_127, %mul3A_22] : memref<16x10240xf32, #tpu.memory_space<vmem_shared>> -> memref<1x640xf32, #tpu.memory_space<vmem_shared>>
      %dma_start3A_165 = tpu.memref_squeeze %dma_start3A : memref<1x640xf32, #tpu.memory_space<vmem_shared>> -> memref<640xf32, #tpu.memory_space<vmem_shared>>
      %dma_start3A_166 = tpu.memref_slice %arg15[%run_scoped3A_127, %mul3A_22] : memref<16x10240xf32, #tpu.memory_space<vmem_shared>> -> memref<1x640xf32, #tpu.memory_space<vmem_shared>>
      %dma_start3A_167 = tpu.memref_squeeze %dma_start3A_166 : memref<1x640xf32, #tpu.memory_space<vmem_shared>> -> memref<640xf32, #tpu.memory_space<vmem_shared>>
      tpu.enqueue_dma source(%dma_start3A_167 : memref<640xf32, #tpu.memory_space<vmem_shared>>) target(%arg14 : memref<640xf32, #tpu.memory_space<vmem>>) target_semaphore(%run_scoped3A_164 : memref<!tpu.dma_semaphore, #tpu.memory_space<semaphore_mem>>)
      %dma_wait3A = tpu.memref_slice %arg15[%run_scoped3A_127, %mul3A_22] : memref<16x10240xf32, #tpu.memory_space<vmem_shared>> -> memref<1x640xf32, #tpu.memory_space<vmem_shared>>
      %dma_wait3A_168 = tpu.memref_squeeze %dma_wait3A : memref<1x640xf32, #tpu.memory_space<vmem_shared>> -> memref<640xf32, #tpu.memory_space<vmem_shared>>
      %dma_wait3A_169 = tpu.memref_slice %arg15[%run_scoped3A_127, %mul3A_22] : memref<16x10240xf32, #tpu.memory_space<vmem_shared>> -> memref<1x640xf32, #tpu.memory_space<vmem_shared>>
      %dma_wait3A_170 = tpu.memref_squeeze %dma_wait3A_169 : memref<1x640xf32, #tpu.memory_space<vmem_shared>> -> memref<640xf32, #tpu.memory_space<vmem_shared>>
      tpu.wait_dma2 semaphore(%run_scoped3A_164 : memref<!tpu.dma_semaphore, #tpu.memory_space<semaphore_mem>>) src(%dma_wait3A_170 : memref<640xf32, #tpu.memory_space<vmem_shared>>) dst(%arg14 : memref<640xf32, #tpu.memory_space<vmem>>)
      tpu.yield
    }) : () -> ()
    %scan3A_128 = arith.constant 0 : i32
    %scan3A_129 = arith.constant 0 : i32
    %scan3A_130 = arith.constant 40 : i32
    %scan3A_131 = arith.addi %scan3A_129, %scan3A_130 : i32
    %scan3A_132 = arith.constant 1 : i32
    %scan3A_133 = scf.for %scan3A_164 = %scan3A_129 to %scan3A_131 step %scan3A_132 iter_args(%scan3A_165 = %scan3A_128) -> (i32)  : i32 {
      %mul3A_166 = arith.constant 16 : i32
      %mul3A_167 = arith.muli %scan3A_164, %mul3A_166 : i32
      %add3A_168 = arith.addi %mul3A_22, %mul3A_167 : i32
      %get3A = arith.index_cast %add3A_168 : i32 to index
      %get3A_169 = tpu.vector_load %arg7[%get3A] {strides = array<i32>} : memref<10240xf32, #tpu.memory_space<vmem>>, vector<16xf32>,
      %mul3A_170 = arith.constant 16 : i32
      %mul3A_171 = arith.muli %scan3A_164, %mul3A_170 : i32
      %get3A_172 = arith.index_cast %mul3A_171 : i32 to index
      %get3A_173 = tpu.vector_load %arg14[%get3A_172] {strides = array<i32>} : memref<640xf32, #tpu.memory_space<vmem>>, vector<16xf32>,
      %add3A_174 = arith.addf %get3A_169, %get3A_173 : vector<16xf32>
      %swap3A = arith.index_cast %add3A_168 : i32 to index
      %swap3A_175 = tpu.vector_load %arg7[%swap3A] {strides = array<i32>} : memref<10240xf32, #tpu.memory_space<vmem>>, vector<16xf32>,
      tpu.vector_store %arg7[%swap3A], %add3A_174 {strides = array<i32>} : memref<10240xf32, #tpu.memory_space<vmem>>, vector<16xf32>,
      %scan3A_176 = arith.constant 0 : i32
      scf.yield %scan3A_176 : i32
    }
    %scan3A_134 = arith.constant 40 : i32
    %run_scoped3A_135 = arith.constant 15 : i32
    "tpu.region"() ({
      %run_scoped3A_164 = tpu.sem_alloc : memref<!tpu.dma_semaphore, #tpu.memory_space<semaphore_mem>>
      %dma_start3A = tpu.memref_slice %arg15[%run_scoped3A_135, %mul3A_22] : memref<16x10240xf32, #tpu.memory_space<vmem_shared>> -> memref<1x640xf32, #tpu.memory_space<vmem_shared>>
      %dma_start3A_165 = tpu.memref_squeeze %dma_start3A : memref<1x640xf32, #tpu.memory_space<vmem_shared>> -> memref<640xf32, #tpu.memory_space<vmem_shared>>
      %dma_start3A_166 = tpu.memref_slice %arg15[%run_scoped3A_135, %mul3A_22] : memref<16x10240xf32, #tpu.memory_space<vmem_shared>> -> memref<1x640xf32, #tpu.memory_space<vmem_shared>>
      %dma_start3A_167 = tpu.memref_squeeze %dma_start3A_166 : memref<1x640xf32, #tpu.memory_space<vmem_shared>> -> memref<640xf32, #tpu.memory_space<vmem_shared>>
      tpu.enqueue_dma source(%dma_start3A_167 : memref<640xf32, #tpu.memory_space<vmem_shared>>) target(%arg14 : memref<640xf32, #tpu.memory_space<vmem>>) target_semaphore(%run_scoped3A_164 : memref<!tpu.dma_semaphore, #tpu.memory_space<semaphore_mem>>)
      %dma_wait3A = tpu.memref_slice %arg15[%run_scoped3A_135, %mul3A_22] : memref<16x10240xf32, #tpu.memory_space<vmem_shared>> -> memref<1x640xf32, #tpu.memory_space<vmem_shared>>
      %dma_wait3A_168 = tpu.memref_squeeze %dma_wait3A : memref<1x640xf32, #tpu.memory_space<vmem_shared>> -> memref<640xf32, #tpu.memory_space<vmem_shared>>
      %dma_wait3A_169 = tpu.memref_slice %arg15[%run_scoped3A_135, %mul3A_22] : memref<16x10240xf32, #tpu.memory_space<vmem_shared>> -> memref<1x640xf32, #tpu.memory_space<vmem_shared>>
      %dma_wait3A_170 = tpu.memref_squeeze %dma_wait3A_169 : memref<1x640xf32, #tpu.memory_space<vmem_shared>> -> memref<640xf32, #tpu.memory_space<vmem_shared>>
      tpu.wait_dma2 semaphore(%run_scoped3A_164 : memref<!tpu.dma_semaphore, #tpu.memory_space<semaphore_mem>>) src(%dma_wait3A_170 : memref<640xf32, #tpu.memory_space<vmem_shared>>) dst(%arg14 : memref<640xf32, #tpu.memory_space<vmem>>)
      tpu.yield
    }) : () -> ()
    %scan3A_136 = arith.constant 0 : i32
    %scan3A_137 = arith.constant 0 : i32
    %scan3A_138 = arith.constant 40 : i32
    %scan3A_139 = arith.addi %scan3A_137, %scan3A_138 : i32
    %scan3A_140 = arith.constant 1 : i32
    %scan3A_141 = scf.for %scan3A_164 = %scan3A_137 to %scan3A_139 step %scan3A_140 iter_args(%scan3A_165 = %scan3A_136) -> (i32)  : i32 {
      %mul3A_166 = arith.constant 16 : i32
      %mul3A_167 = arith.muli %scan3A_164, %mul3A_166 : i32
      %add3A_168 = arith.addi %mul3A_22, %mul3A_167 : i32
      %get3A = arith.index_cast %add3A_168 : i32 to index
      %get3A_169 = tpu.vector_load %arg7[%get3A] {strides = array<i32>} : memref<10240xf32, #tpu.memory_space<vmem>>, vector<16xf32>,
      %mul3A_170 = arith.constant 16 : i32
      %mul3A_171 = arith.muli %scan3A_164, %mul3A_170 : i32
      %get3A_172 = arith.index_cast %mul3A_171 : i32 to index
      %get3A_173 = tpu.vector_load %arg14[%get3A_172] {strides = array<i32>} : memref<640xf32, #tpu.memory_space<vmem>>, vector<16xf32>,
      %add3A_174 = arith.addf %get3A_169, %get3A_173 : vector<16xf32>
      %swap3A = arith.index_cast %add3A_168 : i32 to index
      %swap3A_175 = tpu.vector_load %arg7[%swap3A] {strides = array<i32>} : memref<10240xf32, #tpu.memory_space<vmem>>, vector<16xf32>,
      tpu.vector_store %arg7[%swap3A], %add3A_174 {strides = array<i32>} : memref<10240xf32, #tpu.memory_space<vmem>>, vector<16xf32>,
      %scan3A_176 = arith.constant 0 : i32
      scf.yield %scan3A_176 : i32
    }
    %scan3A_142 = arith.constant 40 : i32
    %scan3A_143 = arith.constant 0 : i32
    %scan3A_144 = arith.constant 0 : i32
    %scan3A_145 = arith.constant 40 : i32
    %scan3A_146 = arith.addi %scan3A_144, %scan3A_145 : i32
    %scan3A_147 = arith.constant 1 : i32
    %scan3A_148 = scf.for %scan3A_164 = %scan3A_144 to %scan3A_146 step %scan3A_147 iter_args(%scan3A_165 = %scan3A_143) -> (i32)  : i32 {
      %mul3A_166 = arith.constant 16 : i32
      %mul3A_167 = arith.muli %scan3A_164, %mul3A_166 : i32
      %add3A_168 = arith.addi %mul3A_22, %mul3A_167 : i32
      %get3A = arith.index_cast %add3A_168 : i32 to index
      %get3A_169 = tpu.vector_load %arg7[%get3A] {strides = array<i32>} : memref<10240xf32, #tpu.memory_space<vmem>>, vector<16xf32>,
      %add3A_170 = arith.constant 1.000000e+00 : f32
      %add3A_171 = vector.broadcast %add3A_170 : f32 to vector<16xf32>
      %add3A_172 = arith.addf %get3A_169, %add3A_171 : vector<16xf32>
      %bitcast3A = vector.bitcast %add3A_172 : vector<16xf32> to vector<16xi32>
      %shift_right_logical3A = arith.constant 1 : i32
      %shift_right_logical3A_173 = vector.broadcast %shift_right_logical3A : i32 to vector<16xi32>
      %shift_right_logical3A_174 = arith.shrui %bitcast3A, %shift_right_logical3A_173 : vector<16xi32>
      %sub3A = arith.constant 1597463007 : i32
      %sub3A_175 = vector.broadcast %sub3A : i32 to vector<16xi32>
      %sub3A_176 = arith.subi %sub3A_175, %shift_right_logical3A_174 : vector<16xi32>
      %bitcast3A_177 = vector.bitcast %sub3A_176 : vector<16xi32> to vector<16xf32>
      %mul3A_178 = arith.constant 5.000000e-01 : f32
      %mul3A_179 = vector.broadcast %mul3A_178 : f32 to vector<16xf32>
      %mul3A_180 = arith.mulf %mul3A_179, %add3A_172 : vector<16xf32>
      %mul3A_181 = arith.mulf %mul3A_180, %bitcast3A_177 : vector<16xf32>
      %mul3A_182 = arith.mulf %mul3A_181, %bitcast3A_177 : vector<16xf32>
      %sub3A_183 = arith.constant 1.500000e+00 : f32
      %sub3A_184 = vector.broadcast %sub3A_183 : f32 to vector<16xf32>
      %sub3A_185 = arith.subf %sub3A_184, %mul3A_182 : vector<16xf32>
      %mul3A_186 = arith.mulf %bitcast3A_177, %sub3A_185 : vector<16xf32>
      %mul3A_187 = arith.constant 5.000000e-01 : f32
      %mul3A_188 = vector.broadcast %mul3A_187 : f32 to vector<16xf32>
      %mul3A_189 = arith.mulf %mul3A_188, %add3A_172 : vector<16xf32>
      %mul3A_190 = arith.mulf %mul3A_189, %mul3A_186 : vector<16xf32>
      %mul3A_191 = arith.mulf %mul3A_190, %mul3A_186 : vector<16xf32>
      %sub3A_192 = arith.constant 1.500000e+00 : f32
      %sub3A_193 = vector.broadcast %sub3A_192 : f32 to vector<16xf32>
      %sub3A_194 = arith.subf %sub3A_193, %mul3A_191 : vector<16xf32>
      %mul3A_195 = arith.mulf %mul3A_186, %sub3A_194 : vector<16xf32>
      %mul3A_196 = arith.constant 5.000000e-01 : f32
      %mul3A_197 = vector.broadcast %mul3A_196 : f32 to vector<16xf32>
      %mul3A_198 = arith.mulf %mul3A_197, %add3A_172 : vector<16xf32>
      %mul3A_199 = arith.mulf %mul3A_198, %mul3A_195 : vector<16xf32>
      %mul3A_200 = arith.mulf %mul3A_199, %mul3A_195 : vector<16xf32>
      %sub3A_201 = arith.constant 1.500000e+00 : f32
      %sub3A_202 = vector.broadcast %sub3A_201 : f32 to vector<16xf32>
      %sub3A_203 = arith.subf %sub3A_202, %mul3A_200 : vector<16xf32>
      %mul3A_204 = arith.mulf %mul3A_195, %sub3A_203 : vector<16xf32>
      %swap3A = arith.index_cast %add3A_168 : i32 to index
      %swap3A_205 = tpu.vector_load %arg7[%swap3A] {strides = array<i32>} : memref<10240xf32, #tpu.memory_space<vmem>>, vector<16xf32>,
      tpu.vector_store %arg7[%swap3A], %mul3A_204 {strides = array<i32>} : memref<10240xf32, #tpu.memory_space<vmem>>, vector<16xf32>,
      %scan3A_206 = arith.constant 0 : i32
      scf.yield %scan3A_206 : i32
    }
    %scan3A_149 = arith.constant 40 : i32
    "tpu.region"() ({
      %run_scoped3A_164 = tpu.sem_alloc : memref<!tpu.dma_semaphore, #tpu.memory_space<semaphore_mem>>
      %dma_start3A = tpu.memref_slice %arg7[%mul3A_22] : memref<10240xf32, #tpu.memory_space<vmem>> -> memref<640xf32, #tpu.memory_space<vmem>>
      %dma_start3A_165 = tpu.memref_slice %arg16[%mul3A_22] : memref<10240xf32, #tpu.memory_space<vmem_shared>> -> memref<640xf32, #tpu.memory_space<vmem_shared>>
      %dma_start3A_166 = tpu.memref_slice %arg16[%mul3A_22] : memref<10240xf32, #tpu.memory_space<vmem_shared>> -> memref<640xf32, #tpu.memory_space<vmem_shared>>
      %dma_start3A_167 = tpu.memref_slice %arg7[%mul3A_22] : memref<10240xf32, #tpu.memory_space<vmem>> -> memref<640xf32, #tpu.memory_space<vmem>>
      tpu.enqueue_dma source(%dma_start3A_167 : memref<640xf32, #tpu.memory_space<vmem>>) target(%dma_start3A_166 : memref<640xf32, #tpu.memory_space<vmem_shared>>) target_semaphore(%run_scoped3A_164 : memref<!tpu.dma_semaphore, #tpu.memory_space<semaphore_mem>>)
      %dma_wait3A = tpu.memref_slice %arg7[%mul3A_22] : memref<10240xf32, #tpu.memory_space<vmem>> -> memref<640xf32, #tpu.memory_space<vmem>>
      %dma_wait3A_168 = tpu.memref_slice %arg16[%mul3A_22] : memref<10240xf32, #tpu.memory_space<vmem_shared>> -> memref<640xf32, #tpu.memory_space<vmem_shared>>
      %dma_wait3A_169 = tpu.memref_slice %arg16[%mul3A_22] : memref<10240xf32, #tpu.memory_space<vmem_shared>> -> memref<640xf32, #tpu.memory_space<vmem_shared>>
      %dma_wait3A_170 = tpu.memref_slice %arg7[%mul3A_22] : memref<10240xf32, #tpu.memory_space<vmem>> -> memref<640xf32, #tpu.memory_space<vmem>>
      tpu.wait_dma2 semaphore(%run_scoped3A_164 : memref<!tpu.dma_semaphore, #tpu.memory_space<semaphore_mem>>) src(%dma_wait3A_170 : memref<640xf32, #tpu.memory_space<vmem>>) dst(%dma_wait3A_169 : memref<640xf32, #tpu.memory_space<vmem_shared>>)
      tpu.yield
    }) : () -> ()
    %barrier3A_150 = arith.constant 0 : index
    tpu.barrier barrier_id(%barrier3A_150)
    "tpu.region"() ({
      %run_scoped3A_164 = tpu.sem_alloc : memref<!tpu.dma_semaphore, #tpu.memory_space<semaphore_mem>>
      tpu.enqueue_dma source(%arg16 : memref<10240xf32, #tpu.memory_space<vmem_shared>>) target(%arg7 : memref<10240xf32, #tpu.memory_space<vmem>>) target_semaphore(%run_scoped3A_164 : memref<!tpu.dma_semaphore, #tpu.memory_space<semaphore_mem>>)
      tpu.wait_dma2 semaphore(%run_scoped3A_164 : memref<!tpu.dma_semaphore, #tpu.memory_space<semaphore_mem>>) src(%arg16 : memref<10240xf32, #tpu.memory_space<vmem_shared>>) dst(%arg7 : memref<10240xf32, #tpu.memory_space<vmem>>)
      tpu.yield
    }) : () -> ()
    "tpu.region"() ({
      %run_scoped3A_164 = tpu.sem_alloc : memref<!tpu.dma_semaphore, #tpu.memory_space<semaphore_mem>>
      tpu.enqueue_dma source(%arg5 : memref<10240x2xf32, #tpu.memory_space<hbm>>) target(%arg8 : memref<10240x2xf32, #tpu.memory_space<vmem>>) target_semaphore(%run_scoped3A_164 : memref<!tpu.dma_semaphore, #tpu.memory_space<semaphore_mem>>)
      tpu.wait_dma2 semaphore(%run_scoped3A_164 : memref<!tpu.dma_semaphore, #tpu.memory_space<semaphore_mem>>) src(%arg5 : memref<10240x2xf32, #tpu.memory_space<hbm>>) dst(%arg8 : memref<10240x2xf32, #tpu.memory_space<vmem>>)
      tpu.yield
    }) : () -> ()
    %eq3A = arith.constant 0 : i32
    %eq3A_151 = arith.cmpi eq, %arg0, %eq3A : i32
    %convert_element_type3A = arith.extui %eq3A_151 : i1 to i32
    %cond3A = arith.constant 0 : i32
    %cond3A_152 = arith.cmpi ne, %convert_element_type3A, %cond3A : i32
    scf.if %cond3A_152 {
      %scan3A_164 = arith.constant 0 : i32
      %scan3A_165 = arith.constant 0 : i32
      %scan3A_166 = arith.constant 40 : i32
      %scan3A_167 = arith.addi %scan3A_165, %scan3A_166 : i32
      %scan3A_168 = arith.constant 1 : i32
      %scan3A_169 = scf.for %scan3A_171 = %scan3A_165 to %scan3A_167 step %scan3A_168 iter_args(%scan3A_172 = %scan3A_164) -> (i32)  : i32 {
        %mul3A_173 = arith.constant 16 : i32
        %mul3A_174 = arith.muli %scan3A_171, %mul3A_173 : i32
        %add3A_175 = arith.addi %mul3A_22, %mul3A_174 : i32
        %get3A = arith.index_cast %add3A_175 : i32 to index
        %get3A_176 = tpu.vector_load %arg7[%get3A] {strides = array<i32>} : memref<10240xf32, #tpu.memory_space<vmem>>, vector<16xf32>,
        %mul3A_177 = arith.mulf %get3A_176, %get3A_176 : vector<16xf32>
        %iota3A = tpu.iota {dimensions = array<i32: 0>} : vector<16xi32>
        %add3A_178 = vector.broadcast %add3A_175 : i32 to vector<16xi32>
        %add3A_179 = arith.addi %iota3A, %add3A_178 : vector<16xi32>
        %gather3A = tpu.vector_load_idx %arg8[%add3A_179, %broadcast_in_dim3A_3] : memref<10240x2xf32, #tpu.memory_space<vmem>>[vector<16xi32>, vector<16xi32>], vector<16xf32>,
        %gather3A_180 = tpu.vector_load_idx %arg8[%add3A_179, %broadcast_in_dim3A_5] : memref<10240x2xf32, #tpu.memory_space<vmem>>[vector<16xi32>, vector<16xi32>], vector<16xf32>,
        %mul3A_181 = arith.mulf %mul3A_177, %gather3A : vector<16xf32>
        %swap3A = arith.index_cast %add3A_175 : i32 to index
        %swap3A_182 = tpu.vector_load %arg9[%swap3A] {strides = array<i32>} : memref<10240xf32, #tpu.memory_space<vmem>>, vector<16xf32>,
        tpu.vector_store %arg9[%swap3A], %mul3A_181 {strides = array<i32>} : memref<10240xf32, #tpu.memory_space<vmem>>, vector<16xf32>,
        %mul3A_183 = arith.mulf %mul3A_177, %gather3A_180 : vector<16xf32>
        %swap3A_184 = arith.index_cast %add3A_175 : i32 to index
        %swap3A_185 = tpu.vector_load %arg10[%swap3A_184] {strides = array<i32>} : memref<10240xf32, #tpu.memory_space<vmem>>, vector<16xf32>,
        tpu.vector_store %arg10[%swap3A_184], %mul3A_183 {strides = array<i32>} : memref<10240xf32, #tpu.memory_space<vmem>>, vector<16xf32>,
        %scan3A_186 = arith.constant 0 : i32
        scf.yield %scan3A_186 : i32
      }
      %scan3A_170 = arith.constant 40 : i32
    } else {
    }
    %mul3A_153 = arith.constant 10000 : i32
    %mul3A_154 = arith.muli %add3A, %mul3A_153 : i32
    %scan3A_155 = arith.constant 0 : i32
    %scan3A_156 = arith.constant 0 : i32
    %scan3A_157 = arith.constant 5 : i32
    %scan3A_158 = arith.addi %scan3A_156, %scan3A_157 : i32
    %scan3A_159 = arith.constant 1 : i32
    %scan3A_160 = scf.for %scan3A_164 = %scan3A_156 to %scan3A_158 step %scan3A_159 iter_args(%scan3A_165 = %scan3A_155) -> (i32)  : i32 {
      %mul3A_166 = arith.constant 2000 : i32
      %mul3A_167 = arith.muli %scan3A_164, %mul3A_166 : i32
      %add3A_168 = arith.addi %mul3A_154, %mul3A_167 : i32
      "tpu.region"() ({
        %run_scoped3A_177 = tpu.sem_alloc : memref<!tpu.dma_semaphore, #tpu.memory_space<semaphore_mem>>
        %dma_start3A = tpu.memref_slice %arg2[%add3A_168] : memref<320000xi32, #tpu.memory_space<hbm>> -> memref<2000xi32, #tpu.memory_space<hbm>>
        %dma_start3A_178 = tpu.memref_slice %arg2[%add3A_168] : memref<320000xi32, #tpu.memory_space<hbm>> -> memref<2000xi32, #tpu.memory_space<hbm>>
        tpu.enqueue_dma source(%dma_start3A_178 : memref<2000xi32, #tpu.memory_space<hbm>>) target(%arg11 : memref<2000xi32, #tpu.memory_space<vmem>>) target_semaphore(%run_scoped3A_177 : memref<!tpu.dma_semaphore, #tpu.memory_space<semaphore_mem>>)
        %dma_wait3A = tpu.memref_slice %arg2[%add3A_168] : memref<320000xi32, #tpu.memory_space<hbm>> -> memref<2000xi32, #tpu.memory_space<hbm>>
        %dma_wait3A_179 = tpu.memref_slice %arg2[%add3A_168] : memref<320000xi32, #tpu.memory_space<hbm>> -> memref<2000xi32, #tpu.memory_space<hbm>>
        tpu.wait_dma2 semaphore(%run_scoped3A_177 : memref<!tpu.dma_semaphore, #tpu.memory_space<semaphore_mem>>) src(%dma_wait3A_179 : memref<2000xi32, #tpu.memory_space<hbm>>) dst(%arg11 : memref<2000xi32, #tpu.memory_space<vmem>>)
        tpu.yield
      }) : () -> ()
      "tpu.region"() ({
        %run_scoped3A_177 = tpu.sem_alloc : memref<!tpu.dma_semaphore, #tpu.memory_space<semaphore_mem>>
        %dma_start3A = tpu.memref_slice %arg3[%add3A_168] : memref<320000xi32, #tpu.memory_space<hbm>> -> memref<2000xi32, #tpu.memory_space<hbm>>
        %dma_start3A_178 = tpu.memref_slice %arg3[%add3A_168] : memref<320000xi32, #tpu.memory_space<hbm>> -> memref<2000xi32, #tpu.memory_space<hbm>>
        tpu.enqueue_dma source(%dma_start3A_178 : memref<2000xi32, #tpu.memory_space<hbm>>) target(%arg12 : memref<2000xi32, #tpu.memory_space<vmem>>) target_semaphore(%run_scoped3A_177 : memref<!tpu.dma_semaphore, #tpu.memory_space<semaphore_mem>>)
        %dma_wait3A = tpu.memref_slice %arg3[%add3A_168] : memref<320000xi32, #tpu.memory_space<hbm>> -> memref<2000xi32, #tpu.memory_space<hbm>>
        %dma_wait3A_179 = tpu.memref_slice %arg3[%add3A_168] : memref<320000xi32, #tpu.memory_space<hbm>> -> memref<2000xi32, #tpu.memory_space<hbm>>
        tpu.wait_dma2 semaphore(%run_scoped3A_177 : memref<!tpu.dma_semaphore, #tpu.memory_space<semaphore_mem>>) src(%dma_wait3A_179 : memref<2000xi32, #tpu.memory_space<hbm>>) dst(%arg12 : memref<2000xi32, #tpu.memory_space<vmem>>)
        tpu.yield
      }) : () -> ()
      "tpu.region"() ({
        %run_scoped3A_177 = tpu.sem_alloc : memref<!tpu.dma_semaphore, #tpu.memory_space<semaphore_mem>>
        %dma_start3A = tpu.memref_slice %arg4[%add3A_168] : memref<320000xf32, #tpu.memory_space<hbm>> -> memref<2000xf32, #tpu.memory_space<hbm>>
        %dma_start3A_178 = tpu.memref_slice %arg4[%add3A_168] : memref<320000xf32, #tpu.memory_space<hbm>> -> memref<2000xf32, #tpu.memory_space<hbm>>
        tpu.enqueue_dma source(%dma_start3A_178 : memref<2000xf32, #tpu.memory_space<hbm>>) target(%arg13 : memref<2000xf32, #tpu.memory_space<vmem>>) target_semaphore(%run_scoped3A_177 : memref<!tpu.dma_semaphore, #tpu.memory_space<semaphore_mem>>)
        %dma_wait3A = tpu.memref_slice %arg4[%add3A_168] : memref<320000xf32, #tpu.memory_space<hbm>> -> memref<2000xf32, #tpu.memory_space<hbm>>
        %dma_wait3A_179 = tpu.memref_slice %arg4[%add3A_168] : memref<320000xf32, #tpu.memory_space<hbm>> -> memref<2000xf32, #tpu.memory_space<hbm>>
        tpu.wait_dma2 semaphore(%run_scoped3A_177 : memref<!tpu.dma_semaphore, #tpu.memory_space<semaphore_mem>>) src(%dma_wait3A_179 : memref<2000xf32, #tpu.memory_space<hbm>>) dst(%arg13 : memref<2000xf32, #tpu.memory_space<vmem>>)
        tpu.yield
      }) : () -> ()
      %scan3A_169 = arith.constant 0 : i32
      %scan3A_170 = arith.constant 0 : i32
      %scan3A_171 = arith.constant 125 : i32
      %scan3A_172 = arith.addi %scan3A_170, %scan3A_171 : i32
      %scan3A_173 = arith.constant 1 : i32
      %scan3A_174 = scf.for %scan3A_177 = %scan3A_170 to %scan3A_172 step %scan3A_173 iter_args(%scan3A_178 = %scan3A_169) -> (i32)  : i32 {
        %mul3A_179 = arith.constant 16 : i32
        %mul3A_180 = arith.muli %scan3A_177, %mul3A_179 : i32
        %get3A = arith.index_cast %mul3A_180 : i32 to index
        %get3A_181 = tpu.vector_load %arg11[%get3A] {strides = array<i32>} : memref<2000xi32, #tpu.memory_space<vmem>>, vector<16xi32>,
        %mul3A_182 = arith.constant 16 : i32
        %mul3A_183 = arith.muli %scan3A_177, %mul3A_182 : i32
        %get3A_184 = arith.index_cast %mul3A_183 : i32 to index
        %get3A_185 = tpu.vector_load %arg12[%get3A_184] {strides = array<i32>} : memref<2000xi32, #tpu.memory_space<vmem>>, vector<16xi32>,
        %mul3A_186 = arith.constant 16 : i32
        %mul3A_187 = arith.muli %scan3A_177, %mul3A_186 : i32
        %get3A_188 = arith.index_cast %mul3A_187 : i32 to index
        %get3A_189 = tpu.vector_load %arg13[%get3A_188] {strides = array<i32>} : memref<2000xf32, #tpu.memory_space<vmem>>, vector<16xf32>,
        %gather3A = tpu.vector_load_idx %arg7[%get3A_181] : memref<10240xf32, #tpu.memory_space<vmem>>[vector<16xi32>], vector<16xf32>,
        %gather3A_190 = tpu.vector_load_idx %arg7[%get3A_185] : memref<10240xf32, #tpu.memory_space<vmem>>[vector<16xi32>], vector<16xf32>,
        %mul3A_191 = arith.mulf %gather3A, %get3A_189 : vector<16xf32>
        %mul3A_192 = arith.mulf %mul3A_191, %gather3A_190 : vector<16xf32>
        %gather3A_193 = tpu.vector_load_idx %arg8[%get3A_181, %broadcast_in_dim3A_3] : memref<10240x2xf32, #tpu.memory_space<vmem>>[vector<16xi32>, vector<16xi32>], vector<16xf32>,
        %gather3A_194 = tpu.vector_load_idx %arg8[%get3A_181, %broadcast_in_dim3A_5] : memref<10240x2xf32, #tpu.memory_space<vmem>>[vector<16xi32>, vector<16xi32>], vector<16xf32>,
        %mul3A_195 = arith.mulf %gather3A_193, %mul3A_192 : vector<16xf32>
        tpu.vector_store_idx %arg9[%get3A_185], %mul3A_195 {add = true} : memref<10240xf32, #tpu.memory_space<vmem>>[vector<16xi32>], vector<16xf32>,
        %mul3A_196 = arith.mulf %gather3A_194, %mul3A_192 : vector<16xf32>
        tpu.vector_store_idx %arg10[%get3A_185], %mul3A_196 {add = true} : memref<10240xf32, #tpu.memory_space<vmem>>[vector<16xi32>], vector<16xf32>,
        %scan3A_197 = arith.constant 0 : i32
        scf.yield %scan3A_197 : i32
      }
      %scan3A_175 = arith.constant 125 : i32
      %scan3A_176 = arith.constant 0 : i32
      scf.yield %scan3A_176 : i32
    }
    %scan3A_161 = arith.constant 5 : i32
    %run_scoped3A_162 = arith.constant 0 : i32
    "tpu.region"() ({
      %run_scoped3A_164 = tpu.sem_alloc : memref<!tpu.dma_semaphore, #tpu.memory_space<semaphore_mem>>
      %dma_start3A = arith.constant 0 : i32
      %dma_start3A_165 = tpu.memref_slice %arg6[%run_scoped3A_162, %add3A, %dma_start3A] : memref<2x32x10240xf32, #tpu.memory_space<hbm>> -> memref<1x1x10240xf32, #tpu.memory_space<hbm>>
      %dma_start3A_166 = tpu.memref_squeeze %dma_start3A_165 : memref<1x1x10240xf32, #tpu.memory_space<hbm>> -> memref<10240xf32, #tpu.memory_space<hbm>>
      %dma_start3A_167 = arith.constant 0 : i32
      %dma_start3A_168 = tpu.memref_slice %arg6[%run_scoped3A_162, %add3A, %dma_start3A_167] : memref<2x32x10240xf32, #tpu.memory_space<hbm>> -> memref<1x1x10240xf32, #tpu.memory_space<hbm>>
      %dma_start3A_169 = tpu.memref_squeeze %dma_start3A_168 : memref<1x1x10240xf32, #tpu.memory_space<hbm>> -> memref<10240xf32, #tpu.memory_space<hbm>>
      tpu.enqueue_dma source(%arg9 : memref<10240xf32, #tpu.memory_space<vmem>>) target(%dma_start3A_169 : memref<10240xf32, #tpu.memory_space<hbm>>) target_semaphore(%run_scoped3A_164 : memref<!tpu.dma_semaphore, #tpu.memory_space<semaphore_mem>>)
      %dma_wait3A = arith.constant 0 : i32
      %dma_wait3A_170 = tpu.memref_slice %arg6[%run_scoped3A_162, %add3A, %dma_wait3A] : memref<2x32x10240xf32, #tpu.memory_space<hbm>> -> memref<1x1x10240xf32, #tpu.memory_space<hbm>>
      %dma_wait3A_171 = tpu.memref_squeeze %dma_wait3A_170 : memref<1x1x10240xf32, #tpu.memory_space<hbm>> -> memref<10240xf32, #tpu.memory_space<hbm>>
      %dma_wait3A_172 = arith.constant 0 : i32
      %dma_wait3A_173 = tpu.memref_slice %arg6[%run_scoped3A_162, %add3A, %dma_wait3A_172] : memref<2x32x10240xf32, #tpu.memory_space<hbm>> -> memref<1x1x10240xf32, #tpu.memory_space<hbm>>
      %dma_wait3A_174 = tpu.memref_squeeze %dma_wait3A_173 : memref<1x1x10240xf32, #tpu.memory_space<hbm>> -> memref<10240xf32, #tpu.memory_space<hbm>>
      tpu.wait_dma2 semaphore(%run_scoped3A_164 : memref<!tpu.dma_semaphore, #tpu.memory_space<semaphore_mem>>) src(%arg9 : memref<10240xf32, #tpu.memory_space<vmem>>) dst(%dma_wait3A_174 : memref<10240xf32, #tpu.memory_space<hbm>>)
      tpu.yield
    }) : () -> ()
    %run_scoped3A_163 = arith.constant 1 : i32
    "tpu.region"() ({
      %run_scoped3A_164 = tpu.sem_alloc : memref<!tpu.dma_semaphore, #tpu.memory_space<semaphore_mem>>
      %dma_start3A = arith.constant 0 : i32
      %dma_start3A_165 = tpu.memref_slice %arg6[%run_scoped3A_163, %add3A, %dma_start3A] : memref<2x32x10240xf32, #tpu.memory_space<hbm>> -> memref<1x1x10240xf32, #tpu.memory_space<hbm>>
      %dma_start3A_166 = tpu.memref_squeeze %dma_start3A_165 : memref<1x1x10240xf32, #tpu.memory_space<hbm>> -> memref<10240xf32, #tpu.memory_space<hbm>>
      %dma_start3A_167 = arith.constant 0 : i32
      %dma_start3A_168 = tpu.memref_slice %arg6[%run_scoped3A_163, %add3A, %dma_start3A_167] : memref<2x32x10240xf32, #tpu.memory_space<hbm>> -> memref<1x1x10240xf32, #tpu.memory_space<hbm>>
      %dma_start3A_169 = tpu.memref_squeeze %dma_start3A_168 : memref<1x1x10240xf32, #tpu.memory_space<hbm>> -> memref<10240xf32, #tpu.memory_space<hbm>>
      tpu.enqueue_dma source(%arg10 : memref<10240xf32, #tpu.memory_space<vmem>>) target(%dma_start3A_169 : memref<10240xf32, #tpu.memory_space<hbm>>) target_semaphore(%run_scoped3A_164 : memref<!tpu.dma_semaphore, #tpu.memory_space<semaphore_mem>>)
      %dma_wait3A = arith.constant 0 : i32
      %dma_wait3A_170 = tpu.memref_slice %arg6[%run_scoped3A_163, %add3A, %dma_wait3A] : memref<2x32x10240xf32, #tpu.memory_space<hbm>> -> memref<1x1x10240xf32, #tpu.memory_space<hbm>>
      %dma_wait3A_171 = tpu.memref_squeeze %dma_wait3A_170 : memref<1x1x10240xf32, #tpu.memory_space<hbm>> -> memref<10240xf32, #tpu.memory_space<hbm>>
      %dma_wait3A_172 = arith.constant 0 : i32
      %dma_wait3A_173 = tpu.memref_slice %arg6[%run_scoped3A_163, %add3A, %dma_wait3A_172] : memref<2x32x10240xf32, #tpu.memory_space<hbm>> -> memref<1x1x10240xf32, #tpu.memory_space<hbm>>
      %dma_wait3A_174 = tpu.memref_squeeze %dma_wait3A_173 : memref<1x1x10240xf32, #tpu.memory_space<hbm>> -> memref<10240xf32, #tpu.memory_space<hbm>>
      tpu.wait_dma2 semaphore(%run_scoped3A_164 : memref<!tpu.dma_semaphore, #tpu.memory_space<semaphore_mem>>) src(%arg10 : memref<10240xf32, #tpu.memory_space<vmem>>) dst(%dma_wait3A_174 : memref<10240xf32, #tpu.memory_space<hbm>>)
      tpu.yield
    }) : () -> ()
    return
  }
}

module attributes {stable_mosaic.version = 14 : i64} {
  func.func @_mm_body(%arg0: memref<10240x128xf32, #tpu.memory_space<vmem>>, %arg1: memref<128x2xf32, #tpu.memory_space<vmem>>, %arg2: memref<10240x2xf32, #tpu.memory_space<vmem>>) attributes {dimension_semantics = [], scalar_prefetch = 0 : i64, scratch_operands = 0 : i64, tpu.core_type = #tpu.core_type<tc>} {
    %get3A = arith.constant 0 : index
    %get3A_0 = arith.constant 0 : index
    %get3A_1 = vector.load %arg0[%get3A, %get3A_0] : memref<10240x128xf32, #tpu.memory_space<vmem>>, vector<10240x128xf32>
    %get3A_2 = arith.constant 0 : index
    %get3A_3 = arith.constant 0 : index
    %get3A_4 = vector.load %arg1[%get3A_2, %get3A_3] : memref<128x2xf32, #tpu.memory_space<vmem>>, vector<128x2xf32>
    %dot_general3A = arith.constant dense<0.000000e+00> : vector<10240x2xf32>
    %dot_general3A_5 = tpu.matmul %get3A_1, %get3A_4, %dot_general3A {dimension_numbers = #tpu.dot_dimension_numbers<[1], [0], [0], [1], [0, 0, 1, 1], [], []>, transpose_lhs_hint = false} : vector<10240x128xf32>, vector<128x2xf32>, vector<10240x2xf32> -> vector<10240x2xf32>
    %swap3A = arith.constant 0 : index
    %swap3A_6 = arith.constant 0 : index
    %swap3A_7 = vector.load %arg2[%swap3A, %swap3A_6] : memref<10240x2xf32, #tpu.memory_space<vmem>>, vector<10240x2xf32>
    tpu.vector_store %arg2[%swap3A, %swap3A_6], %dot_general3A_5 {strides = array<i32>} : memref<10240x2xf32, #tpu.memory_space<vmem>>, vector<10240x2xf32>,
    return
  }
}

module attributes {stable_mosaic.version = 14 : i64} {
  func.func @_fin_body(%arg0: memref<2x32x10240xf32, #tpu.memory_space<vmem>>, %arg1: memref<2x10240xf32, #tpu.memory_space<vmem>>, %arg2: memref<2x1xf32, #tpu.memory_space<vmem>>, %arg3: memref<1x1xf32, #tpu.memory_space<vmem>>, %arg4: memref<1x1xf32, #tpu.memory_space<vmem>>) attributes {dimension_semantics = [], scalar_prefetch = 0 : i64, scratch_operands = 0 : i64, tpu.core_type = #tpu.core_type<tc>} {
    %get3A = arith.constant 0 : index
    %get3A_0 = arith.constant 0 : index
    %get3A_1 = arith.constant 0 : index
    %get3A_2 = vector.load %arg0[%get3A, %get3A_0, %get3A_1] : memref<2x32x10240xf32, #tpu.memory_space<vmem>>, vector<2x32x10240xf32>
    %reduce_sum3A = arith.constant dense<0.000000e+00> : vector<2x10240xf32>
    %reduce_sum3A_3 = vector.multi_reduction <add>, %get3A_2, %reduce_sum3A [1] : vector<2x32x10240xf32> to vector<2x10240xf32>
    %get3A_4 = arith.constant 0 : index
    %get3A_5 = arith.constant 0 : index
    %get3A_6 = vector.load %arg2[%get3A_4, %get3A_5] : memref<2x1xf32, #tpu.memory_space<vmem>>, vector<2x1xf32>
    %add3A = vector.broadcast %get3A_6 : vector<2x1xf32> to vector<2x10240xf32>
    %add3A_7 = arith.addf %reduce_sum3A_3, %add3A : vector<2x10240xf32>
    %max3A = arith.constant 0.000000e+00 : f32
    %max3A_8 = vector.broadcast %max3A : f32 to vector<2x10240xf32>
    %max3A_9 = arith.maximumf %add3A_7, %max3A_8 : vector<2x10240xf32>
    %get3A_10 = arith.constant 0 : index
    %get3A_11 = arith.constant 0 : index
    %get3A_12 = vector.load %arg1[%get3A_10, %get3A_11] : memref<2x10240xf32, #tpu.memory_space<vmem>>, vector<2x10240xf32>
    %mul3A = arith.mulf %max3A_9, %get3A_12 : vector<2x10240xf32>
    %reduce_sum3A_13 = vector.shape_cast %mul3A : vector<2x10240xf32> to vector<1x2x10240xf32>
    %reduce_sum3A_14 = arith.constant dense<0.000000e+00> : vector<1xf32>
    %reduce_sum3A_15 = vector.multi_reduction <add>, %reduce_sum3A_13, %reduce_sum3A_14 [1, 2] : vector<1x2x10240xf32> to vector<1xf32>
    %reduce_sum3A_16 = vector.shape_cast %reduce_sum3A_15 : vector<1xf32> to vector<1x1x1xf32>
    %reduce_sum3A_17 = vector.extract %reduce_sum3A_16[0, 0, 0] : f32 from vector<1x1x1xf32>
    %get3A_18 = arith.constant 0 : index
    %get3A_19 = arith.constant 0 : index
    %get3A_20 = vector.load %arg3[%get3A_18, %get3A_19] : memref<1x1xf32, #tpu.memory_space<vmem>>, vector<1x1xf32>
    %get3A_21 = vector.extract %get3A_20[0, 0] : f32 from vector<1x1xf32>
    %add3A_22 = arith.addf %reduce_sum3A_17, %get3A_21 : f32
    %logistic3A = arith.negf %add3A_22 : f32
    %logistic3A_23 = math.exp %logistic3A : f32
    %logistic3A_24 = arith.constant 1.000000e+00 : f32
    %logistic3A_25 = arith.addf %logistic3A_24, %logistic3A_23 : f32
    %logistic3A_26 = arith.divf %logistic3A_24, %logistic3A_25 : f32
    %reshape3A = vector.broadcast %logistic3A_26 : f32 to vector<1x1xf32>
    %swap3A = arith.constant 0 : index
    %swap3A_27 = arith.constant 0 : index
    %swap3A_28 = vector.load %arg4[%swap3A, %swap3A_27] : memref<1x1xf32, #tpu.memory_space<vmem>>, vector<1x1xf32>
    tpu.vector_store %arg4[%swap3A, %swap3A_27], %reshape3A {strides = array<i32>} : memref<1x1xf32, #tpu.memory_space<vmem>>, vector<1x1xf32>,
    return
  }
}

</mosaic_0001>

<sc_bundles>
// kernel: kernel.5.cloned.1.call-start
scs
__scs_entry_jumppad:
0x0: {  	(pc) =	sbr.rel $0x88, $3  }
0x1: {  	(tag) =	ssettag $0x0;
	lr =	simm.s32 $0x1  }
0x2: {  	[smem:$0x3F9A] =	sst lr;
	_ =	strace $0xD0000000  }
0x3: {  	_ = 	snop  }
0x4: {  	_ = 	snop  }
0x5: {  	_ = 	snop  }
0x6: {  	_ = 	snop  }
0x7: {  	_ = 	snop  }
__scs_overlays_trampoline_lowered:
0x8: {  	[smem:$0x3FA9] =	sst s0  }
0x9: {  	[smem:$0x3FAA] =	sst s1  }
0xa: {  	[smem:$0x3FAB] =	sst s2  }
0xb: {  	[smem:$0x3FAC] =	sst s3  }
0xc: {  	[smem:$0x3FAD] =	sst s4  }
0xd: {  	[smem:$0x3FAE] =	sst s5  }
0xe: {  	[smem:$0x3FAF] =	sst s6  }
0xf: {  	[smem:$0x3FB0] =	sst s7  }
0x10: {  	[smem:$0x3FB1] =	sst s8  }
0x11: {  	[smem:$0x3FB2] =	sst s9;
	s0 =	simm.s32 @!p0 $0x0  }
0x12: {  	s1 =	sld [smem:$0x3F98];
	s0 =	simm.s32 @p0 $0x1  }
0x13: {  	[smem:$0x3FB3] =	sst s0;
	s0 =	simm.s32 @!p1 $0x0  }
0x14: {  	s2 =	sld [smem:$0x3F97];
	s0 =	simm.s32 @p1 $0x1  }
0x15: {  	[smem:$0x3FB4] =	sst s0;
	s0 =	simm.s32 @!p2 $0x0  }
0x16: {  	s3 =	sld [smem:$0x3FDB];
	s0 =	simm.s32 @p2 $0x1  }
0x17: {  	s4 =	simm.s32 $0x1BF5;
	[smem:$0x3FB6] =	sst s0  }
0x18: {  	s0 =	sld [smem:$0x3F99];
	_ =	swait.ge [sflag:s4], $0x0  }
0x19: {  	s7 =	sld [smem:$0x3F9A]  }
0x1a: {  	s8 =	sadd.s32 $0xFFFFE003, lr  }
0x1b: {  	s9 =	sadd.s32 $0xFFFFFEF7, lr;
	s5 =	simm.s32 $0xFFFFFFFF;
	p2 =	slt.u32 s8, $0xFFFFF086  }
0x1c: {  	p1 =	slt.u32 s9, $0xF7A;
	s5 =	simm.s32 @!p2 $0x0  }
0x1d: {  	s5 =	simm.s32 @p1 $0x1;
	p0 =	seq.s32 s7, s2  }
0x1e: {  	s7 =	smul.u32 @!p0 $0xF7A, s2;
	p2 =	seq.s32 @!p0 s5, $0x0  }
0x1f: {  	s9 =	smul.u32 $0xF7A, s1;
	s8 =	simm.s32 @!p0 $0x1BF5;
	p2 =	por !p2, p0  }
0x20: {  	[sflag:s8] =	ssyncset.s32 @!p0 $0xFFFFF086;
	s6 =	sadd.s32 @!p0 s3, s7;
	s7 =	simm.s32 @!p0 $0x108  }
0x21: {  	s3 =	sadd.s32 s3, s9;
	s6 =	sadd.s32 @!p0 $0x88, s6;
	s7 =	simm.s32 @p2 $0x1082  }
0x22: {  	[simem:s7], [sflag:s8] =	dma.local @!p0 [hbm:s6], $0xF7A  }
0x23: {  	s9 =	sor.u32 $0xD0000000, s2;
	s6 =	simm.s32 $0x108;
	_ =	swait.ge @!p0 [sflag:s8], $0x0  }
0x24: {  	s3 =	sadd.s32 $0x88, s3;
	s6 =	simm.s32 @!p1 $0x1082;
	[sflag:s4] =	ssyncset.s32 $0xFFFFF086  }
0x25: {  	[simem:s6], [sflag:s4] =	dma.local [hbm:s3], $0xF7A  }
0x26: {  	[smem:$0x3F9A] =	sst s1;
	(tag) =	ssettag s2;
	_ =	strace s9  }
0x27: {  	s1 =	sld [smem:$0x3FAA]  }
0x28: {  	s2 =	sld [smem:$0x3FAB]  }
0x29: {  	s4 =	sld [smem:$0x3FAD]  }
0x2a: {  	p0 =	seq.s32 s5, $0x0;
	s5 =	sld [smem:$0x3FAE]  }
0x2b: {  	s6 =	sld [smem:$0x3FAF]  }
0x2c: {  	s7 =	sld [smem:$0x3FB0]  }
0x2d: {  	s3 =	simm.s32 $0x108;
	s8 =	sld [smem:$0x3FB1]  }
0x2e: {  	s3 =	simm.s32 @!p0 $0x1082;
	s9 =	sld [smem:$0x3FB2]  }
0x2f: {  	lr =	sadd.s32 s0, s3;
	s0 =	sld [smem:$0x3FA9]  }
0x30: {  	s3 =	sld [smem:$0x3FAC]  }
0x31: {  	[smem:$0x3FB5] =	sst s10  }
0x32: {  	s10 =	sld [smem:$0x3FB3];
	_ =	sdelay $0x3  }
0x33: {  	p0 =	seq.s32 s10, $0x1;
	s10 =	sld [smem:$0x3FB5];
	_ =	sdelay $0x3  }
0x34: {  	[smem:$0x3FB5] =	sst s10  }
0x35: {  	s10 =	sld [smem:$0x3FB4];
	_ =	sdelay $0x3  }
0x36: {  	p1 =	seq.s32 s10, $0x1;
	s10 =	sld [smem:$0x3FB5];
	_ =	sdelay $0x3  }
0x37: {  	[smem:$0x3FB5] =	sst s10  }
0x38: {  	s10 =	sld [smem:$0x3FB6]  }
0x39: {  	_ = 	snop;
	(pc) =	sbr.ind lr, $3  }
0x3a: {  	_ = 	snop  }
0x3b: {  	_ = 	snop  }
0x3c: {  	p2 =	seq.s32 s10, $0x1;
	s10 =	sld [smem:$0x3FB5]  }
0x3d: {  	_ =	shalt  }
0x3e: {  	_ =	shalt  }
0x3f: {  	_ =	shalt  }
0x40: {  	_ =	shalt  }
0x41: {  	_ =	shalt  }
0x42: {  	_ =	shalt  }
0x43: {  	_ =	shalt  }
0x44: {  	_ =	shalt  }
0x45: {  	_ =	shalt  }
0x46: {  	_ =	shalt  }
0x47: {  	_ =	shalt  }
0x48: {  	_ =	shalt  }
0x49: {  	_ =	shalt  }
0x4a: {  	_ =	shalt  }
0x4b: {  	_ =	shalt  }
0x4c: {  	_ =	shalt  }
0x4d: {  	_ =	shalt  }
0x4e: {  	_ =	shalt  }
0x4f: {  	_ =	shalt  }
0x50: {  	_ =	shalt  }
0x51: {  	_ =	shalt  }
0x52: {  	_ =	shalt  }
0x53: {  	_ =	shalt  }
0x54: {  	_ =	shalt  }
0x55: {  	_ =	shalt  }
0x56: {  	_ =	shalt  }
0x57: {  	_ =	shalt  }
0x58: {  	_ =	shalt  }
0x59: {  	_ =	shalt  }
0x5a: {  	_ =	shalt  }
0x5b: {  	_ =	shalt  }
0x5c: {  	_ =	shalt  }
0x5d: {  	_ =	shalt  }
0x5e: {  	_ =	shalt  }
0x5f: {  	_ =	shalt  }
0x60: {  	_ =	shalt  }
0x61: {  	_ =	shalt  }
0x62: {  	_ =	shalt  }
0x63: {  	_ =	shalt  }
0x64: {  	_ =	shalt  }
0x65: {  	_ =	shalt  }
0x66: {  	_ =	shalt  }
0x67: {  	_ =	shalt  }
0x68: {  	_ =	shalt  }
0x69: {  	_ =	shalt  }
0x6a: {  	_ =	shalt  }
0x6b: {  	_ =	shalt  }
0x6c: {  	_ =	shalt  }
0x6d: {  	_ =	shalt  }
0x6e: {  	_ =	shalt  }
0x6f: {  	_ =	shalt  }
0x70: {  	_ =	shalt  }
0x71: {  	_ =	shalt  }
0x72: {  	_ =	shalt  }
0x73: {  	_ =	shalt  }
0x74: {  	_ =	shalt  }
0x75: {  	_ =	shalt  }
0x76: {  	_ =	shalt  }
0x77: {  	_ =	shalt  }
0x78: {  	_ =	shalt  }
0x79: {  	_ =	shalt  }
0x7a: {  	_ =	shalt  }
0x7b: {  	_ =	shalt  }
0x7c: {  	_ =	shalt  }
0x7d: {  	_ =	shalt  }
0x7e: {  	_ =	shalt  }
0x7f: {  	_ =	shalt  }
0x80: {  	_ =	shalt  }
0x81: {  	_ =	shalt  }
0x82: {  	_ =	shalt  }
0x83: {  	_ =	shalt  }
0x84: {  	_ =	shalt  }
0x85: {  	_ =	shalt  }
0x86: {  	_ =	shalt  }
0x87: {  	_ =	shalt  }
.Lfunc_end0:
.L_simem_size_0:
called_computation_lowered:
.L_overlay_start_0:
0x88: {  	s2 =	sld [smem:$0x3FD9]  }
0x89: {  	s3 =	sld [smem:$0x3FFE];
	_ =	sdelay $0x1  }
0x8a: {  	s1 =	srdreg.scid  }
0x8b: {  	s0 =	sand.u32 $0x1, s1  }
0x8c: {  	s17 =	sshll.u32 s0, $0xA;
	s2 =	sadd.s32 s3, s2  }
0x8d: {  	s2 =	sadd.s32 s2, s17  }
0x8e: {  	[smem:$0x3FC1] =	sst s2  }
0x8f: {  	_ = 	snop  }
0x90: {  	s2 =	sld [smem:$0x3FC7];
	(tm) =	ssettm $0x1  }
0x91: {  	s18 =	sld [smem:$0x3FFB];
	_ =	sdelay $0x3  }
0x92: {  	_ =	strace s18  }
0x93: {  	s3 =	sld [smem:$0x3FFC];
	_ =	sdelay $0x3  }
0x94: {  	_ =	strace s3  }
0x95: {  	s3 =	sld [smem:$0x3FFD];
	_ =	sdelay $0x3  }
0x96: {  	_ =	strace s3  }
0x97: {  	_ =	strace $0x8FFFFFFF  }
0x98: {  	s19 =	sld [smem:$0x3FDB];
	_ =	sdelay $0x1  }
0x99: {  	s4 =	simm.s32 $_scs_section_size  }
0x9a: {  	s5 =	simm.s32 $_size__tile_overlayer_lowered;
	s6 =	simm.s32 $_tile_overlayer_lowered  }
0x9b: {  	s22 =	simm.s32 $0x1BFF;
	s21 =	sshll.u32 s6, $0x1;
	s3 =	sadd.s32 s4, s19  }
0x9c: {  	s7 =	simm.s32 $0x0;
	s20 =	sshll.u32 s5, $0x1;
	s5 =	sadd.s32 s21, s3  }
0x9d: {  	[timem:s7], [sflag:s22] =	dma.local [hbm:s5], s20  }
0x9e: {  	_ =	swait.ge [sflag:s22], s20  }
0x9f: {  	s4 =	ssub.s32 $0x0, s20;
	[sflag:s22] =	ssyncset.done $0x0  }
0xa0: {  	[sflag:s22] =	ssyncadd.s32 s4;
	_ =	sdelay $0x1  }
0xa1: {  	s23 =	simm.s32 $0x1B8B  }
0xa2: {  	_ =	swait.ge [sflag:s23], $0x1  }
0xa3: {  	[sflag:s23] =	ssyncset.done $0x0  }
0xa4: {  	s25 =	simm.s32 $0x1B8E;
	s24 =	sld [smem:$0x3FFE];
	[sflag:s23] =	ssyncadd.s32 $0xFFFFFFFF  }
0xa5: {  	s26 =	simm.s32 $execute0_lowered;
	[smem:$0x3FD2] =	sst s25  }
0xa6: {  	s5 =	sshll.u32 s26, $0x1;
	_ =	strace $0x80000046;
	[dreg:$0x1] =	wrdreg $0xFFFFFFFF  }
0xa7: {  	s28 =	simm.s32 $_size_execute0_lowered;
	s3 =	sadd.s32 s3, s5;
	[dreg:$0x0] =	wrdreg $0x0  }
0xa8: {  	s5 =	sshll.u32 s28, $0x1;
	[dreg:$0x2] =	wrdreg s3  }
0xa9: {  	[dreg:$0x3] =	wrdreg s5  }
0xaa: {  	[dreg:$0x4] =	wrdreg $0xC0  }
0xab: {  	_ =	task [dreg:s7], $0x5FFFF  }
0xac: {  	[dreg:$0x1] =	wrdreg $0xFFFFFFFF  }
0xad: {  	[dreg:$0x0] =	wrdreg $0x60  }
0xae: {  	[dreg:$0x2] =	wrdreg s24  }
0xaf: {  	[dreg:$0x3] =	wrdreg s2  }
0xb0: {  	[dreg:$0x4] =	wrdreg $0x1D1F00  }
0xb1: {  	[dreg:$0x5] =	wrdreg $0x1F9F00  }
0xb2: {  	[dreg:$0x6] =	wrdreg $0x9  }
0xb3: {  	_ =	task.clear_ibuf [dreg:s7], $0x7FFFF;
	_ =	strace $0x90000046  }
0xb4: {  	s29 =	simm.s32 $0x9;
	_ =	strace $0x80000048  }
0xb5: {  	_ =	swait.ge [sflag:s29], $0x1  }
0xb6: {  	[sflag:s29] =	ssyncadd.s32 $0xFFFFFFFF  }
0xb7: {  	_ =	strace $0x90000048  }
0xb8: {  	_ =	sfence  }
0xb9: {  	s30 =	sld [smem:$0x0];
	_ =	sdelay $0x2  }
0xba: {  	s31 =	sshll.u32 s1, $0xD;
	s1 =	sshrl.u32 s1, $0x2  }
0xbb: {  	s3 =	sand.u32 $0x4000, s31;
	s1 =	sadd.s32 s1, s30  }
0xbc: {  	s0 =	sor.u32 s3, s0;
	s1 =	sshll.u32 s1, $0x11  }
0xbd: {  	s0 =	sor.u32 s1, s0  }
0xbe: {  	s0 =	sadd.s32 $0x8F2B, s0  }
0xbf: {  	[sflag:s0] =	ssyncadd.remote.s32 $0x1  }
0xc0: {  	_ =	sfence.sel $0xFFFF  }
0xc1: {  	[dreg:$0x0] =	wrdreg $0xFFFFFFFF;
	(pc) =	sbr.abs _section_cstart, $3  }
0xc2: {  	[dreg:$0x1] =	wrdreg $0xFFFFFFFF  }
0xc3: {  	_ =	task.clear_ibuf [dreg:s7], $0x2FFFF;
	_ =	strace $0x9FFFFFFF  }
0xc4: {  	(tm) =	ssettm $0x7FFFFFFF  }
0xc5: {  	_ =	shalt  }
tec
execute0_lowered:
.L_overlay_start_1:
0x0: {  	(tag) =	ssettag $0x1  }
0x1: {  	s0 =	rddreg [dreg:$0x0]  }
0x2: {  	s1 =	rddreg [dreg:$0x1]  }
0x3: {  	s2 =	rddreg [dreg:$0x2]  }
0x4: {  	s22 =	rddreg [dreg:$0x3];
	s3 =	srdreg.scid  }
0x5: {  	s4 =	simm.s32 $0x0;
	s13 =	stileid.u32;
	s3 =	sand.u32 $0x1, s3  }
0x6: {  	[smem:$0x7FF] =	sst s4;
	s6 =	sadd.s32 $0x400, s0;
	s9 =	smul.u32 $0xA000, s13  }
0x7: {  	s23 =	sadd.s32 $0x14000, s0;
	s18 =	smul.u32 $0xA00, s13;
	s5 =	sshll.u32 s3, $0x4  }
0x8: {  	_ =	strace $0x80000047;
	s11 =	ssub.s32 $0x2, s3;
	s8 =	sor.u32 s13, s5  }
0x9: {  	s17 =	sshrl.u32 s11, $0x1;
	s12 =	sshrl.u32 s9, $0x2;
	s7 =	smul.u32 $0x2800, s8  }
0xa: {  	p0 =	sne.s32 s3, $0x0;
	s11 =	ssub.s32 s11, s17;
	s24 =	sadd.s32 s12, s2  }
0xb: {  	s12 =	smax.u32 s11, $0x1;
	s10 =	sshrl.u32 s7, $0x3;
	s7 =	smul.u32 $0x280, s13  }
0xc: {  	s3 =	simm.s32 $0x1BFD0;
	s5 =	sadd.s32 $0xA200, s0;
	[dreg:$0x9] =	wrdreg s12  }
0xd: {  	s0 =	sadd.s32 s10, s0;
	s10 =	smul.u32 $0x4E20, s13;
	s9 =	sadd.s32 s7, s2  }
0xe: {  	s21 =	sadd.s32 $0x16800, s0;
	s0 =	sadd.s32 $0x20800, s0;
	s2 =	simm.s32 $0x1  }
0xf: {  	s25 =	sadd.s32 $0x2800, s9;
	s26 =	sadd.s32 $0x5000, s9;
	[dreg:$0x7] =	wrdreg s21  }
0x10: {  	s28 =	sadd.s32 $0x7800, s9;
	s19 =	sadd.s32 $0x11800, s9;
	[dreg:$0x8] =	wrdreg s0  }
0x11: {  	s29 =	sadd.s32 $0xA000, s9;
	s20 =	sadd.s32 $0x14000, s9;
	[dreg:$0x5] =	wrdreg s19  }
0x12: {  	s30 =	sadd.s32 $0xC800, s9;
	s13 =	sadd.s32 $0x16800, s9;
	[dreg:$0x6] =	wrdreg s20  }
0x13: {  	s31 =	sadd.s32 $0xF000, s9;
	s14 =	sadd.s32 $0x19000, s9;
	[dreg:$0xa] =	wrdreg s13  }
0x14: {  	s15 =	sadd.s32 $0x1B800, s9;
	s16 =	sadd.s32 $0x1E000, s9;
	[dreg:$0xb] =	wrdreg s14  }
0x15: {  	s17 =	sadd.s32 $0x20800, s9;
	s21 =	sadd.s32 s7, s22;
	[dreg:$0xc] =	wrdreg s15  }
0x16: {  	s20 =	smul.u32 $0x2710, s8;
	s8 =	sshrl.u32 s18, $0x2;
	[dreg:$0xd] =	wrdreg s16  }
0x17: {  	v4 =	vmov s7;
	[dreg:$0xe] =	wrdreg s17;
	s18 =	sadd.s32 $0x23000, s9;
	s19 =	sadd.s32 $0x25800, s9  }
0x18: {  	[dreg:$0x11] =	wrdreg s21;
	s13 =	simm.s32 $0x1B800;
	s11 =	sadd.s32 $0x16800, s8  }
0x19: {  	s14 =	simm.s32 $0x16800;
	s12 =	sadd.s32 $0x19000, s8;
	[dreg:$0xf] =	wrdreg s18;
	v0 =	vmov s11  }
0x1a: {  	v3 =	vlaneseq.u32;
	s15 =	simm.s32 $0x19000;
	s16 =	simm.s32 $0x0;
	[dreg:$0x10] =	wrdreg s19;
	v1 =	vmov s12  }
0x1b: {  	v2 =	vimm.f32 $0.0e+00;
	v3 =	vmul.u32 $0x8, v3;
	s8 =	simm.s32 $0x1C7A0;
	s11 =	simm.s32 $0x1CF70;
	s12 =	simm.s32 $0x2800  }
.LBB2_1:
0x1c: {  	s17 =	simm.s32 $0x40;
	s18 =	simm.s32 $0x0  }
.LBB2_2:
0x1d: {  	p1 =	sne.s32 s17, $0x9FC0;
	[tilespmem:s18+$0x19000] =	vst v2;
	s19 =	smov.u32 s17;
	s17 =	sadd.s32 $0x40, s17  }
.Ltmp0:
0x1e: {  	[tilespmem:s18+$0x0] =	vst v2;
	(pc) =	sbr.rel @p1 .LBB2_2-.Ltmp0, $2  }
0x1f: {  	[tilespmem:s18+$0x16800] =	vst v2;
	_ =	sdelay $0x2  }
0x20: {  	s18 =	sshra.s32 s19, $0x2  }
0x21: {  	[tilespmem:s18+$0x19000] =	vst v2  }
0x22: {  	[tilespmem:s18+$0x0] =	vst v2  }
0x23: {  	s17 =	simm.s32 $0x0;
	[tilespmem:s18+$0x16800] =	vst v2;
	s18 =	simm.s32 $0x0  }
.LBB2_4:
0x24: {  	s19 =	smul.u32 $0x7D0, s18;
	_ =	sdelay $0x1  }
0x25: {  	s19 =	sadd.s32 s10, s19  }
0x26: {  	s19 =	sshrl.u32 s19, $0x3  }
0x27: {  	s21 =	sadd.s32 s6, s19  }
0x28: {  	[tilespmem:s3], [sflag:$0x1] =	stream.linear.gather [hbm4b:s21+s17], $0x7D0, $0x38;
	[tilespmem:$0x1FC70] =	vst v63  }
0x29: {  	_ =	swait.ge [sflag:s2], $0x7D0  }
0x2a: {  	[sflag:s2] =	ssyncset.done $0x0  }
0x2b: {  	s19 =	sadd.s32 s1, s19;
	[sflag:s2] =	ssyncadd.s32 $0xFFFFF830  }
0x2c: {  	[tilespmem:s8], [sflag:$0x1] =	stream.linear.gather [hbm4b:s19+s17], $0x7D0, $0x38;
	[tilespmem:$0x1FC70] =	vst v63  }
0x2d: {  	_ =	swait.ge [sflag:s2], $0x7D0  }
0x2e: {  	[sflag:s2] =	ssyncset.done $0x0  }
0x2f: {  	s21 =	simm.s32 $0x0;
	s19 =	simm.s32 $0x40;
	[sflag:s2] =	ssyncadd.s32 $0xFFFFF830  }
.LBB2_5:
0x30: {  	p1 =	sne.s32 s19, $0x1F00;
	v5 =	vld [tilespmem:s21+$0x1BFD0];
	_ =	sdelay $0x2  }
0x31: {  	v6 =	vld [tilespmem:s21+$0x1C7A0]  }
.Ltmp1:
0x32: {  	(pc) =	sbr.rel @p1 .LBB2_5-.Ltmp1, $2  }
0x33: {  	_ =	sdelay $0x2  }
0x34: {  	s21 =	sshra.s32 s19, $0x2;
	s19 =	sadd.s32 $0x40, s19;
	[tilespmem:v5+s4+$0x0] =	vst.idx.add.f32.msk $0xffff, v6  }
0x35: {  	v5 =	vld [tilespmem:s21+$0x1BFD0];
	_ =	sdelay $0x1  }
0x36: {  	s18 =	sadd.s32 $0x1, s18  }
0x37: {  	v6 =	vld [tilespmem:s21+$0x1C7A0];
	p1 =	sne.s32 s18, $0xA  }
.Ltmp2:
0x38: {  	_ = 	snop;
	(pc) =	sbr.rel @p1 .LBB2_4-.Ltmp2, $2  }
0x39: {  	_ =	sdelay $0x2  }
0x3a: {  	[tilespmem:v5+s4+$0x0] =	vst.idx.add.f32.msk $0xffff, v6  }
0x3b: {  	s17 =	simm.s32 $0x0  }
0x3c: {  	[spmem:s24] =	stream.linear.scatter [tilespmem:s17], [sflag:$0x1], $0x2800, $0x38;
	[tilespmem:$0x1FC70] =	vst v63  }
0x3d: {  	_ =	swait.ge [sflag:s2], $0x2800  }
0x3e: {  	[sflag:s2] =	ssyncset.done $0x0  }
0x3f: {  	[sflag:s2] =	ssyncadd.s32 $0xFFFFD800  }
0x40: {  	[bflag:$0x0] =	sbarrier.arrive $0xFFFF  }
0x41: {  	[tilespmem:s7], [sflag:$0x1] =	stream.linear.gather [spmem:s9], $0x280, $0x38;
	[tilespmem:$0x1FC70] =	vst v63  }
0x42: {  	_ =	swait.ge [sflag:s2], $0x280  }
0x43: {  	[sflag:s2] =	ssyncset.done $0x0  }
0x44: {  	[sflag:s2] =	ssyncadd.s32 $0xFFFFFD80  }
0x45: {  	[tilespmem:s11], [sflag:$0x1] =	stream.linear.gather [spmem:s25], $0x280, $0x38;
	[tilespmem:$0x1FC70] =	vst v63  }
0x46: {  	_ =	swait.ge [sflag:s2], $0x280  }
0x47: {  	[sflag:s2] =	ssyncset.done $0x0  }
0x48: {  	s18 =	simm.s32 $0x40;
	s17 =	simm.s32 $0x0;
	[sflag:s2] =	ssyncadd.s32 $0xFFFFFD80  }
.LBB2_8:
0x49: {  	p1 =	sne.s32 s18, $0x9C0;
	v5 =	vld.idx.msk [tilespmem:v4+s17+$0x0 ss:$0x1], $0xffff  }
0x4a: {  	v6 =	vld [tilespmem:s17+$0x1CF70];
	_ =	sdelay $0x2  }
.Ltmp3:
0x4b: {  	(pc) =	sbr.rel @p1 .LBB2_8-.Ltmp3, $3  }
0x4c: {  	_ = 	snop  }
0x4d: {  	v5 =	vadd.f32 v6, v5;
	_ =	sdelay $0x1  }
0x4e: {  	[tilespmem:v4+s17+$0x0 ss:$0x1] =	vst.idx.msk $0xffff, v5;
	s17 =	sshra.s32 s18, $0x2;
	s18 =	sadd.s32 $0x40, s18  }
0x4f: {  	_ =	sdelay $0x3  }
0x50: {  	v5 =	vld.idx.msk [tilespmem:v4+s17+$0x0 ss:$0x1], $0xffff  }
0x51: {  	v6 =	vld [tilespmem:s17+$0x1CF70];
	_ =	sdelay $0x4  }
0x52: {  	v5 =	vadd.f32 v6, v5;
	_ =	sdelay $0x1  }
0x53: {  	[tilespmem:v4+s17+$0x0 ss:$0x1] =	vst.idx.msk $0xffff, v5  }
0x54: {  	[tilespmem:s11], [sflag:$0x1] =	stream.linear.gather [spmem:s26], $0x280, $0x38;
	[tilespmem:$0x1FC70] =	vst v63  }
0x55: {  	_ =	swait.ge [sflag:s2], $0x280  }
0x56: {  	[sflag:s2] =	ssyncset.done $0x0  }
0x57: {  	s18 =	simm.s32 $0x40;
	s17 =	simm.s32 $0x0;
	[sflag:s2] =	ssyncadd.s32 $0xFFFFFD80  }
.LBB2_10:
0x58: {  	p1 =	sne.s32 s18, $0x9C0;
	v5 =	vld.idx.msk [tilespmem:v4+s17+$0x0 ss:$0x1], $0xffff  }
0x59: {  	v6 =	vld [tilespmem:s17+$0x1CF70];
	_ =	sdelay $0x2  }
.Ltmp4:
0x5a: {  	(pc) =	sbr.rel @p1 .LBB2_10-.Ltmp4, $3  }
0x5b: {  	_ = 	snop  }
0x5c: {  	v5 =	vadd.f32 v6, v5;
	_ =	sdelay $0x1  }
0x5d: {  	[tilespmem:v4+s17+$0x0 ss:$0x1] =	vst.idx.msk $0xffff, v5;
	s17 =	sshra.s32 s18, $0x2;
	s18 =	sadd.s32 $0x40, s18  }
0x5e: {  	_ =	sdelay $0x3  }
0x5f: {  	v5 =	vld.idx.msk [tilespmem:v4+s17+$0x0 ss:$0x1], $0xffff  }
0x60: {  	v6 =	vld [tilespmem:s17+$0x1CF70];
	_ =	sdelay $0x4  }
0x61: {  	v5 =	vadd.f32 v6, v5;
	_ =	sdelay $0x1  }
0x62: {  	[tilespmem:v4+s17+$0x0 ss:$0x1] =	vst.idx.msk $0xffff, v5  }
0x63: {  	[tilespmem:s11], [sflag:$0x1] =	stream.linear.gather [spmem:s28], $0x280, $0x38;
	[tilespmem:$0x1FC70] =	vst v63  }
0x64: {  	_ =	swait.ge [sflag:s2], $0x280  }
0x65: {  	[sflag:s2] =	ssyncset.done $0x0  }
0x66: {  	s18 =	simm.s32 $0x40;
	s17 =	simm.s32 $0x0;
	[sflag:s2] =	ssyncadd.s32 $0xFFFFFD80  }
.LBB2_12:
0x67: {  	p1 =	sne.s32 s18, $0x9C0;
	v5 =	vld.idx.msk [tilespmem:v4+s17+$0x0 ss:$0x1], $0xffff  }
0x68: {  	v6 =	vld [tilespmem:s17+$0x1CF70];
	_ =	sdelay $0x2  }
.Ltmp5:
0x69: {  	(pc) =	sbr.rel @p1 .LBB2_12-.Ltmp5, $3  }
0x6a: {  	_ = 	snop  }
0x6b: {  	v5 =	vadd.f32 v6, v5;
	_ =	sdelay $0x1  }
0x6c: {  	[tilespmem:v4+s17+$0x0 ss:$0x1] =	vst.idx.msk $0xffff, v5;
	s17 =	sshra.s32 s18, $0x2;
	s18 =	sadd.s32 $0x40, s18  }
0x6d: {  	_ =	sdelay $0x3  }
0x6e: {  	v5 =	vld.idx.msk [tilespmem:v4+s17+$0x0 ss:$0x1], $0xffff  }
0x6f: {  	v6 =	vld [tilespmem:s17+$0x1CF70];
	_ =	sdelay $0x4  }
0x70: {  	v5 =	vadd.f32 v6, v5;
	_ =	sdelay $0x1  }
0x71: {  	[tilespmem:v4+s17+$0x0 ss:$0x1] =	vst.idx.msk $0xffff, v5  }
0x72: {  	[tilespmem:s11], [sflag:$0x1] =	stream.linear.gather [spmem:s29], $0x280, $0x38;
	[tilespmem:$0x1FC70] =	vst v63  }
0x73: {  	_ =	swait.ge [sflag:s2], $0x280  }
0x74: {  	[sflag:s2] =	ssyncset.done $0x0  }
0x75: {  	s18 =	simm.s32 $0x40;
	s17 =	simm.s32 $0x0;
	[sflag:s2] =	ssyncadd.s32 $0xFFFFFD80  }
.LBB2_14:
0x76: {  	p1 =	sne.s32 s18, $0x9C0;
	v5 =	vld.idx.msk [tilespmem:v4+s17+$0x0 ss:$0x1], $0xffff  }
0x77: {  	v6 =	vld [tilespmem:s17+$0x1CF70];
	_ =	sdelay $0x2  }
.Ltmp6:
0x78: {  	(pc) =	sbr.rel @p1 .LBB2_14-.Ltmp6, $3  }
0x79: {  	_ = 	snop  }
0x7a: {  	v5 =	vadd.f32 v6, v5;
	_ =	sdelay $0x1  }
0x7b: {  	[tilespmem:v4+s17+$0x0 ss:$0x1] =	vst.idx.msk $0xffff, v5;
	s17 =	sshra.s32 s18, $0x2;
	s18 =	sadd.s32 $0x40, s18  }
0x7c: {  	_ =	sdelay $0x3  }
0x7d: {  	v5 =	vld.idx.msk [tilespmem:v4+s17+$0x0 ss:$0x1], $0xffff  }
0x7e: {  	v6 =	vld [tilespmem:s17+$0x1CF70];
	_ =	sdelay $0x4  }
0x7f: {  	v5 =	vadd.f32 v6, v5;
	_ =	sdelay $0x1  }
0x80: {  	[tilespmem:v4+s17+$0x0 ss:$0x1] =	vst.idx.msk $0xffff, v5  }
0x81: {  	[tilespmem:s11], [sflag:$0x1] =	stream.linear.gather [spmem:s30], $0x280, $0x38;
	[tilespmem:$0x1FC70] =	vst v63  }
0x82: {  	_ =	swait.ge [sflag:s2], $0x280  }
0x83: {  	[sflag:s2] =	ssyncset.done $0x0  }
0x84: {  	s18 =	simm.s32 $0x40;
	s17 =	simm.s32 $0x0;
	[sflag:s2] =	ssyncadd.s32 $0xFFFFFD80  }
.LBB2_16:
0x85: {  	p1 =	sne.s32 s18, $0x9C0;
	v5 =	vld.idx.msk [tilespmem:v4+s17+$0x0 ss:$0x1], $0xffff  }
0x86: {  	v6 =	vld [tilespmem:s17+$0x1CF70];
	_ =	sdelay $0x2  }
.Ltmp7:
0x87: {  	(pc) =	sbr.rel @p1 .LBB2_16-.Ltmp7, $3  }
0x88: {  	_ = 	snop  }
0x89: {  	v5 =	vadd.f32 v6, v5;
	_ =	sdelay $0x1  }
0x8a: {  	[tilespmem:v4+s17+$0x0 ss:$0x1] =	vst.idx.msk $0xffff, v5;
	s17 =	sshra.s32 s18, $0x2;
	s18 =	sadd.s32 $0x40, s18  }
0x8b: {  	_ =	sdelay $0x3  }
0x8c: {  	v5 =	vld.idx.msk [tilespmem:v4+s17+$0x0 ss:$0x1], $0xffff  }
0x8d: {  	v6 =	vld [tilespmem:s17+$0x1CF70];
	_ =	sdelay $0x4  }
0x8e: {  	v5 =	vadd.f32 v6, v5;
	_ =	sdelay $0x1  }
0x8f: {  	[tilespmem:v4+s17+$0x0 ss:$0x1] =	vst.idx.msk $0xffff, v5  }
0x90: {  	[tilespmem:s11], [sflag:$0x1] =	stream.linear.gather [spmem:s31], $0x280, $0x38;
	[tilespmem:$0x1FC70] =	vst v63  }
0x91: {  	_ =	swait.ge [sflag:s2], $0x280  }
0x92: {  	[sflag:s2] =	ssyncset.done $0x0  }
0x93: {  	s18 =	simm.s32 $0x40;
	s17 =	simm.s32 $0x0;
	[sflag:s2] =	ssyncadd.s32 $0xFFFFFD80  }
.LBB2_18:
0x94: {  	p1 =	sne.s32 s18, $0x9C0;
	v5 =	vld.idx.msk [tilespmem:v4+s17+$0x0 ss:$0x1], $0xffff  }
0x95: {  	v6 =	vld [tilespmem:s17+$0x1CF70];
	_ =	sdelay $0x2  }
.Ltmp8:
0x96: {  	(pc) =	sbr.rel @p1 .LBB2_18-.Ltmp8, $3  }
0x97: {  	_ = 	snop  }
0x98: {  	v5 =	vadd.f32 v6, v5;
	_ =	sdelay $0x1  }
0x99: {  	[tilespmem:v4+s17+$0x0 ss:$0x1] =	vst.idx.msk $0xffff, v5;
	s17 =	sshra.s32 s18, $0x2;
	s18 =	sadd.s32 $0x40, s18  }
0x9a: {  	_ =	sdelay $0x3  }
0x9b: {  	v5 =	vld.idx.msk [tilespmem:v4+s17+$0x0 ss:$0x1], $0xffff  }
0x9c: {  	v6 =	vld [tilespmem:s17+$0x1CF70];
	_ =	sdelay $0x4  }
0x9d: {  	v5 =	vadd.f32 v6, v5;
	_ =	sdelay $0x1  }
0x9e: {  	s0 =	rddreg [dreg:$0x5];
	[tilespmem:v4+s17+$0x0 ss:$0x1] =	vst.idx.msk $0xffff, v5  }
0x9f: {  	[tilespmem:s11], [sflag:$0x1] =	stream.linear.gather [spmem:s0], $0x280, $0x38;
	[tilespmem:$0x1FC70] =	vst v63  }
0xa0: {  	_ =	swait.ge [sflag:s2], $0x280  }
0xa1: {  	[sflag:s2] =	ssyncset.done $0x0  }
0xa2: {  	s18 =	simm.s32 $0x40;
	s17 =	simm.s32 $0x0;
	[sflag:s2] =	ssyncadd.s32 $0xFFFFFD80  }
.LBB2_20:
0xa3: {  	p1 =	sne.s32 s18, $0x9C0;
	v5 =	vld.idx.msk [tilespmem:v4+s17+$0x0 ss:$0x1], $0xffff  }
0xa4: {  	v6 =	vld [tilespmem:s17+$0x1CF70];
	_ =	sdelay $0x2  }
.Ltmp9:
0xa5: {  	(pc) =	sbr.rel @p1 .LBB2_20-.Ltmp9, $3  }
0xa6: {  	_ = 	snop  }
0xa7: {  	v5 =	vadd.f32 v6, v5;
	_ =	sdelay $0x1  }
0xa8: {  	[tilespmem:v4+s17+$0x0 ss:$0x1] =	vst.idx.msk $0xffff, v5;
	s17 =	sshra.s32 s18, $0x2;
	s18 =	sadd.s32 $0x40, s18  }
0xa9: {  	_ =	sdelay $0x3  }
0xaa: {  	v5 =	vld.idx.msk [tilespmem:v4+s17+$0x0 ss:$0x1], $0xffff  }
0xab: {  	v6 =	vld [tilespmem:s17+$0x1CF70];
	_ =	sdelay $0x4  }
0xac: {  	v5 =	vadd.f32 v6, v5;
	_ =	sdelay $0x1  }
0xad: {  	s0 =	rddreg [dreg:$0x6];
	[tilespmem:v4+s17+$0x0 ss:$0x1] =	vst.idx.msk $0xffff, v5  }
0xae: {  	[tilespmem:s11], [sflag:$0x1] =	stream.linear.gather [spmem:s0], $0x280, $0x38;
	[tilespmem:$0x1FC70] =	vst v63  }
0xaf: {  	_ =	swait.ge [sflag:s2], $0x280  }
0xb0: {  	[sflag:s2] =	ssyncset.done $0x0  }
0xb1: {  	s18 =	simm.s32 $0x40;
	s17 =	simm.s32 $0x0;
	[sflag:s2] =	ssyncadd.s32 $0xFFFFFD80  }
.LBB2_22:
0xb2: {  	p1 =	sne.s32 s18, $0x9C0;
	v5 =	vld.idx.msk [tilespmem:v4+s17+$0x0 ss:$0x1], $0xffff  }
0xb3: {  	v6 =	vld [tilespmem:s17+$0x1CF70];
	_ =	sdelay $0x2  }
.Ltmp10:
0xb4: {  	(pc) =	sbr.rel @p1 .LBB2_22-.Ltmp10, $3  }
0xb5: {  	_ = 	snop  }
0xb6: {  	v5 =	vadd.f32 v6, v5;
	_ =	sdelay $0x1  }
0xb7: {  	[tilespmem:v4+s17+$0x0 ss:$0x1] =	vst.idx.msk $0xffff, v5;
	s17 =	sshra.s32 s18, $0x2;
	s18 =	sadd.s32 $0x40, s18  }
0xb8: {  	_ =	sdelay $0x3  }
0xb9: {  	v5 =	vld.idx.msk [tilespmem:v4+s17+$0x0 ss:$0x1], $0xffff  }
0xba: {  	v6 =	vld [tilespmem:s17+$0x1CF70];
	_ =	sdelay $0x4  }
0xbb: {  	v5 =	vadd.f32 v6, v5;
	_ =	sdelay $0x1  }
0xbc: {  	s0 =	rddreg [dreg:$0xa];
	[tilespmem:v4+s17+$0x0 ss:$0x1] =	vst.idx.msk $0xffff, v5  }
0xbd: {  	[tilespmem:s11], [sflag:$0x1] =	stream.linear.gather [spmem:s0], $0x280, $0x38;
	[tilespmem:$0x1FC70] =	vst v63  }
0xbe: {  	_ =	swait.ge [sflag:s2], $0x280  }
0xbf: {  	[sflag:s2] =	ssyncset.done $0x0  }
0xc0: {  	s18 =	simm.s32 $0x40;
	s17 =	simm.s32 $0x0;
	[sflag:s2] =	ssyncadd.s32 $0xFFFFFD80  }
.LBB2_24:
0xc1: {  	p1 =	sne.s32 s18, $0x9C0;
	v5 =	vld.idx.msk [tilespmem:v4+s17+$0x0 ss:$0x1], $0xffff  }
0xc2: {  	v6 =	vld [tilespmem:s17+$0x1CF70];
	_ =	sdelay $0x2  }
.Ltmp11:
0xc3: {  	(pc) =	sbr.rel @p1 .LBB2_24-.Ltmp11, $3  }
0xc4: {  	_ = 	snop  }
0xc5: {  	v5 =	vadd.f32 v6, v5;
	_ =	sdelay $0x1  }
0xc6: {  	[tilespmem:v4+s17+$0x0 ss:$0x1] =	vst.idx.msk $0xffff, v5;
	s17 =	sshra.s32 s18, $0x2;
	s18 =	sadd.s32 $0x40, s18  }
0xc7: {  	_ =	sdelay $0x3  }
0xc8: {  	v5 =	vld.idx.msk [tilespmem:v4+s17+$0x0 ss:$0x1], $0xffff  }
0xc9: {  	v6 =	vld [tilespmem:s17+$0x1CF70];
	_ =	sdelay $0x4  }
0xca: {  	v5 =	vadd.f32 v6, v5;
	_ =	sdelay $0x1  }
0xcb: {  	s0 =	rddreg [dreg:$0xb];
	[tilespmem:v4+s17+$0x0 ss:$0x1] =	vst.idx.msk $0xffff, v5  }
0xcc: {  	[tilespmem:s11], [sflag:$0x1] =	stream.linear.gather [spmem:s0], $0x280, $0x38;
	[tilespmem:$0x1FC70] =	vst v63  }
0xcd: {  	_ =	swait.ge [sflag:s2], $0x280  }
0xce: {  	[sflag:s2] =	ssyncset.done $0x0  }
0xcf: {  	s18 =	simm.s32 $0x40;
	s17 =	simm.s32 $0x0;
	[sflag:s2] =	ssyncadd.s32 $0xFFFFFD80  }
.LBB2_26:
0xd0: {  	p1 =	sne.s32 s18, $0x9C0;
	v5 =	vld.idx.msk [tilespmem:v4+s17+$0x0 ss:$0x1], $0xffff  }
0xd1: {  	v6 =	vld [tilespmem:s17+$0x1CF70];
	_ =	sdelay $0x2  }
.Ltmp12:
0xd2: {  	(pc) =	sbr.rel @p1 .LBB2_26-.Ltmp12, $3  }
0xd3: {  	_ = 	snop  }
0xd4: {  	v5 =	vadd.f32 v6, v5;
	_ =	sdelay $0x1  }
0xd5: {  	[tilespmem:v4+s17+$0x0 ss:$0x1] =	vst.idx.msk $0xffff, v5;
	s17 =	sshra.s32 s18, $0x2;
	s18 =	sadd.s32 $0x40, s18  }
0xd6: {  	_ =	sdelay $0x3  }
0xd7: {  	v5 =	vld.idx.msk [tilespmem:v4+s17+$0x0 ss:$0x1], $0xffff  }
0xd8: {  	v6 =	vld [tilespmem:s17+$0x1CF70];
	_ =	sdelay $0x4  }
0xd9: {  	v5 =	vadd.f32 v6, v5;
	_ =	sdelay $0x1  }
0xda: {  	s0 =	rddreg [dreg:$0xc];
	[tilespmem:v4+s17+$0x0 ss:$0x1] =	vst.idx.msk $0xffff, v5  }
0xdb: {  	[tilespmem:s11], [sflag:$0x1] =	stream.linear.gather [spmem:s0], $0x280, $0x38;
	[tilespmem:$0x1FC70] =	vst v63  }
0xdc: {  	_ =	swait.ge [sflag:s2], $0x280  }
0xdd: {  	[sflag:s2] =	ssyncset.done $0x0  }
0xde: {  	s18 =	simm.s32 $0x40;
	s17 =	simm.s32 $0x0;
	[sflag:s2] =	ssyncadd.s32 $0xFFFFFD80  }
.LBB2_28:
0xdf: {  	p1 =	sne.s32 s18, $0x9C0;
	v5 =	vld.idx.msk [tilespmem:v4+s17+$0x0 ss:$0x1], $0xffff  }
0xe0: {  	v6 =	vld [tilespmem:s17+$0x1CF70];
	_ =	sdelay $0x2  }
.Ltmp13:
0xe1: {  	(pc) =	sbr.rel @p1 .LBB2_28-.Ltmp13, $3  }
0xe2: {  	_ = 	snop  }
0xe3: {  	v5 =	vadd.f32 v6, v5;
	_ =	sdelay $0x1  }
0xe4: {  	[tilespmem:v4+s17+$0x0 ss:$0x1] =	vst.idx.msk $0xffff, v5;
	s17 =	sshra.s32 s18, $0x2;
	s18 =	sadd.s32 $0x40, s18  }
0xe5: {  	_ =	sdelay $0x3  }
0xe6: {  	v5 =	vld.idx.msk [tilespmem:v4+s17+$0x0 ss:$0x1], $0xffff  }
0xe7: {  	v6 =	vld [tilespmem:s17+$0x1CF70];
	_ =	sdelay $0x4  }
0xe8: {  	v5 =	vadd.f32 v6, v5;
	_ =	sdelay $0x1  }
0xe9: {  	s0 =	rddreg [dreg:$0xd];
	[tilespmem:v4+s17+$0x0 ss:$0x1] =	vst.idx.msk $0xffff, v5  }
0xea: {  	[tilespmem:s11], [sflag:$0x1] =	stream.linear.gather [spmem:s0], $0x280, $0x38;
	[tilespmem:$0x1FC70] =	vst v63  }
0xeb: {  	_ =	swait.ge [sflag:s2], $0x280  }
0xec: {  	[sflag:s2] =	ssyncset.done $0x0  }
0xed: {  	s18 =	simm.s32 $0x40;
	s17 =	simm.s32 $0x0;
	[sflag:s2] =	ssyncadd.s32 $0xFFFFFD80  }
.LBB2_30:
0xee: {  	p1 =	sne.s32 s18, $0x9C0;
	v5 =	vld.idx.msk [tilespmem:v4+s17+$0x0 ss:$0x1], $0xffff  }
0xef: {  	v6 =	vld [tilespmem:s17+$0x1CF70];
	_ =	sdelay $0x2  }
.Ltmp14:
0xf0: {  	(pc) =	sbr.rel @p1 .LBB2_30-.Ltmp14, $3  }
0xf1: {  	_ = 	snop  }
0xf2: {  	v5 =	vadd.f32 v6, v5;
	_ =	sdelay $0x1  }
0xf3: {  	[tilespmem:v4+s17+$0x0 ss:$0x1] =	vst.idx.msk $0xffff, v5;
	s17 =	sshra.s32 s18, $0x2;
	s18 =	sadd.s32 $0x40, s18  }
0xf4: {  	_ =	sdelay $0x3  }
0xf5: {  	v5 =	vld.idx.msk [tilespmem:v4+s17+$0x0 ss:$0x1], $0xffff  }
0xf6: {  	v6 =	vld [tilespmem:s17+$0x1CF70];
	_ =	sdelay $0x4  }
0xf7: {  	v5 =	vadd.f32 v6, v5;
	_ =	sdelay $0x1  }
0xf8: {  	s0 =	rddreg [dreg:$0xe];
	[tilespmem:v4+s17+$0x0 ss:$0x1] =	vst.idx.msk $0xffff, v5  }
0xf9: {  	[tilespmem:s11], [sflag:$0x1] =	stream.linear.gather [spmem:s0], $0x280, $0x38;
	[tilespmem:$0x1FC70] =	vst v63  }
0xfa: {  	_ =	swait.ge [sflag:s2], $0x280  }
0xfb: {  	[sflag:s2] =	ssyncset.done $0x0  }
0xfc: {  	s18 =	simm.s32 $0x40;
	s17 =	simm.s32 $0x0;
	[sflag:s2] =	ssyncadd.s32 $0xFFFFFD80  }
.LBB2_32:
0xfd: {  	p1 =	sne.s32 s18, $0x9C0;
	v5 =	vld.idx.msk [tilespmem:v4+s17+$0x0 ss:$0x1], $0xffff  }
0xfe: {  	v6 =	vld [tilespmem:s17+$0x1CF70];
	_ =	sdelay $0x2  }
.Ltmp15:
0xff: {  	(pc) =	sbr.rel @p1 .LBB2_32-.Ltmp15, $3  }
0x100: {  	_ = 	snop  }
0x101: {  	v5 =	vadd.f32 v6, v5;
	_ =	sdelay $0x1  }
0x102: {  	[tilespmem:v4+s17+$0x0 ss:$0x1] =	vst.idx.msk $0xffff, v5;
	s17 =	sshra.s32 s18, $0x2;
	s18 =	sadd.s32 $0x40, s18  }
0x103: {  	_ =	sdelay $0x3  }
0x104: {  	v5 =	vld.idx.msk [tilespmem:v4+s17+$0x0 ss:$0x1], $0xffff  }
0x105: {  	v6 =	vld [tilespmem:s17+$0x1CF70];
	_ =	sdelay $0x4  }
0x106: {  	v5 =	vadd.f32 v6, v5;
	_ =	sdelay $0x1  }
0x107: {  	s0 =	rddreg [dreg:$0xf];
	[tilespmem:v4+s17+$0x0 ss:$0x1] =	vst.idx.msk $0xffff, v5  }
0x108: {  	[tilespmem:s11], [sflag:$0x1] =	stream.linear.gather [spmem:s0], $0x280, $0x38;
	[tilespmem:$0x1FC70] =	vst v63  }
0x109: {  	_ =	swait.ge [sflag:s2], $0x280  }
0x10a: {  	[sflag:s2] =	ssyncset.done $0x0  }
0x10b: {  	s18 =	simm.s32 $0x40;
	s17 =	simm.s32 $0x0;
	[sflag:s2] =	ssyncadd.s32 $0xFFFFFD80  }
.LBB2_34:
0x10c: {  	p1 =	sne.s32 s18, $0x9C0;
	v5 =	vld.idx.msk [tilespmem:v4+s17+$0x0 ss:$0x1], $0xffff  }
0x10d: {  	v6 =	vld [tilespmem:s17+$0x1CF70];
	_ =	sdelay $0x2  }
.Ltmp16:
0x10e: {  	(pc) =	sbr.rel @p1 .LBB2_34-.Ltmp16, $3  }
0x10f: {  	_ = 	snop  }
0x110: {  	v5 =	vadd.f32 v6, v5;
	_ =	sdelay $0x1  }
0x111: {  	[tilespmem:v4+s17+$0x0 ss:$0x1] =	vst.idx.msk $0xffff, v5;
	s17 =	sshra.s32 s18, $0x2;
	s18 =	sadd.s32 $0x40, s18  }
0x112: {  	_ =	sdelay $0x3  }
0x113: {  	v5 =	vld.idx.msk [tilespmem:v4+s17+$0x0 ss:$0x1], $0xffff  }
0x114: {  	v6 =	vld [tilespmem:s17+$0x1CF70];
	_ =	sdelay $0x4  }
0x115: {  	v5 =	vadd.f32 v6, v5;
	_ =	sdelay $0x1  }
0x116: {  	s0 =	rddreg [dreg:$0x10];
	[tilespmem:v4+s17+$0x0 ss:$0x1] =	vst.idx.msk $0xffff, v5  }
0x117: {  	[tilespmem:s11], [sflag:$0x1] =	stream.linear.gather [spmem:s0], $0x280, $0x38;
	[tilespmem:$0x1FC70] =	vst v63  }
0x118: {  	_ =	swait.ge [sflag:s2], $0x280  }
0x119: {  	[sflag:s2] =	ssyncset.done $0x0  }
0x11a: {  	s18 =	simm.s32 $0x40;
	s17 =	simm.s32 $0x0;
	[sflag:s2] =	ssyncadd.s32 $0xFFFFFD80  }
.LBB2_36:
0x11b: {  	p1 =	sne.s32 s18, $0x9C0;
	v5 =	vld.idx.msk [tilespmem:v4+s17+$0x0 ss:$0x1], $0xffff  }
0x11c: {  	v6 =	vld [tilespmem:s17+$0x1CF70];
	_ =	sdelay $0x2  }
.Ltmp17:
0x11d: {  	(pc) =	sbr.rel @p1 .LBB2_36-.Ltmp17, $3  }
0x11e: {  	_ = 	snop  }
0x11f: {  	v5 =	vadd.f32 v6, v5;
	_ =	sdelay $0x1  }
0x120: {  	[tilespmem:v4+s17+$0x0 ss:$0x1] =	vst.idx.msk $0xffff, v5;
	s17 =	sshra.s32 s18, $0x2;
	s18 =	sadd.s32 $0x40, s18  }
0x121: {  	_ =	sdelay $0x3  }
0x122: {  	v5 =	vld.idx.msk [tilespmem:v4+s17+$0x0 ss:$0x1], $0xffff  }
0x123: {  	v6 =	vld [tilespmem:s17+$0x1CF70];
	_ =	sdelay $0x4  }
0x124: {  	v5 =	vadd.f32 v6, v5;
	_ =	sdelay $0x1  }
0x125: {  	s18 =	simm.s32 $0x40;
	[tilespmem:v4+s17+$0x0 ss:$0x1] =	vst.idx.msk $0xffff, v5;
	s17 =	simm.s32 $0x0  }
.LBB2_38:
0x126: {  	p1 =	sne.s32 s18, $0x9C0;
	v5 =	vld.idx.msk [tilespmem:v4+s17+$0x0 ss:$0x1], $0xffff;
	_ =	sdelay $0x5  }
0x127: {  	v5 =	vadd.f32 $1.000000000e+00, v5;
	_ =	sdelay $0x1  }
0x128: {  	v6 =	vshrl.u32 v5, $0x1;
	v5 =	vmul.f32 $5.000000000e-01, v5  }
0x129: {  	v6 =	vsub.s32 $0x5F3759DF, v6  }
0x12a: {  	v7 =	vmul.f32 v6, v5;
	_ =	sdelay $0x1  }
0x12b: {  	v7 =	vmul.f32 v6, v7;
	_ =	sdelay $0x1  }
0x12c: {  	v7 =	vsub.f32 $1.500000000e+00, v7;
	_ =	sdelay $0x1  }
0x12d: {  	v6 =	vmul.f32 v6, v7;
	_ =	sdelay $0x1  }
0x12e: {  	v7 =	vmul.f32 v6, v5;
	_ =	sdelay $0x1  }
0x12f: {  	v7 =	vmul.f32 v7, v6;
	_ =	sdelay $0x1  }
0x130: {  	v7 =	vsub.f32 $1.500000000e+00, v7;
	_ =	sdelay $0x1  }
0x131: {  	v6 =	vmul.f32 v7, v6;
	_ =	sdelay $0x1  }
0x132: {  	v5 =	vmul.f32 v6, v5;
	_ =	sdelay $0x1  }
0x133: {  	v5 =	vmul.f32 v5, v6;
	_ =	sdelay $0x1  }
.Ltmp18:
0x134: {  	v5 =	vsub.f32 $1.500000000e+00, v5;
	(pc) =	sbr.rel @p1 .LBB2_38-.Ltmp18, $3  }
0x135: {  	_ = 	snop  }
0x136: {  	v5 =	vmul.f32 v5, v6;
	_ =	sdelay $0x1  }
0x137: {  	[tilespmem:v4+s17+$0x0 ss:$0x1] =	vst.idx.msk $0xffff, v5;
	s17 =	sshra.s32 s18, $0x2;
	s18 =	sadd.s32 $0x40, s18  }
0x138: {  	_ =	sdelay $0x3  }
0x139: {  	v5 =	vld.idx.msk [tilespmem:v4+s17+$0x0 ss:$0x1], $0xffff;
	_ =	sdelay $0x4  }
0x13a: {  	v5 =	vadd.f32 $1.000000000e+00, v5;
	_ =	sdelay $0x1  }
0x13b: {  	v6 =	vshrl.u32 v5, $0x1;
	v5 =	vmul.f32 $5.000000000e-01, v5  }
0x13c: {  	v6 =	vsub.s32 $0x5F3759DF, v6  }
0x13d: {  	v7 =	vmul.f32 v6, v5;
	_ =	sdelay $0x1  }
0x13e: {  	v7 =	vmul.f32 v6, v7;
	_ =	sdelay $0x1  }
0x13f: {  	v7 =	vsub.f32 $1.500000000e+00, v7;
	_ =	sdelay $0x1  }
0x140: {  	v6 =	vmul.f32 v6, v7;
	_ =	sdelay $0x1  }
0x141: {  	v7 =	vmul.f32 v6, v5;
	_ =	sdelay $0x1  }
0x142: {  	v7 =	vmul.f32 v7, v6;
	_ =	sdelay $0x1  }
0x143: {  	v7 =	vsub.f32 $1.500000000e+00, v7;
	_ =	sdelay $0x1  }
0x144: {  	v6 =	vmul.f32 v7, v6;
	_ =	sdelay $0x1  }
0x145: {  	v5 =	vmul.f32 v6, v5;
	_ =	sdelay $0x1  }
0x146: {  	v5 =	vmul.f32 v5, v6;
	_ =	sdelay $0x1  }
0x147: {  	v5 =	vsub.f32 $1.500000000e+00, v5;
	_ =	sdelay $0x1  }
0x148: {  	v5 =	vmul.f32 v5, v6;
	_ =	sdelay $0x1  }
0x149: {  	s0 =	rddreg [dreg:$0x11];
	[tilespmem:v4+s17+$0x0 ss:$0x1] =	vst.idx.msk $0xffff, v5  }
0x14a: {  	[spmem:s0] =	stream.linear.scatter [tilespmem:s7], [sflag:$0x1], $0x280, $0x38;
	[tilespmem:$0x1FC70] =	vst v63  }
0x14b: {  	_ =	swait.ge [sflag:s2], $0x280  }
0x14c: {  	[sflag:s2] =	ssyncset.done $0x0  }
0x14d: {  	[sflag:s2] =	ssyncadd.s32 $0xFFFFFD80  }
0x14e: {  	s17 =	simm.s32 $0x0;
	[bflag:$0x0] =	sbarrier.arrive $0xFFFF  }
0x14f: {  	[tilespmem:s17], [sflag:$0x1] =	stream.linear.gather [spmem:s22], $0x2800, $0x38;
	[tilespmem:$0x1FC70] =	vst v63  }
0x150: {  	_ =	swait.ge [sflag:s2], $0x2800  }
0x151: {  	[sflag:s2] =	ssyncset.done $0x0  }
.Ltmp19:
0x152: {  	[sflag:s2] =	ssyncadd.s32 $0xFFFFD800;
	(pc) =	sbr.rel @p0 .LBB2_43-.Ltmp19, $4  }
0x153: {  	[tilespmem:s12], [sflag:$0x1] =	stream.linear.gather [hbm4b:s23+s17], $0x14000, $0x38;
	[tilespmem:$0x1FC70] =	vst v63  }
0x154: {  	_ =	swait.ge [sflag:s2], $0x14000  }
0x155: {  	[sflag:s2] =	ssyncset.done $0x0  }
0x156: {  	[sflag:s2] =	ssyncadd.s32 $0xFFFEC000  }
0x157: {  	v5 =	vshll.u32 v4, $0x3  }
0x158: {  	v5 =	vor.u32 v3, v5  }
0x159: {  	v6 =	vor.u32 $0x1, v5  }
0x15a: {  	s18 =	simm.s32 $0x0  }
0x15b: {  	v7 =	vld.idx.msk [tilespmem:v4+s18+$0x0 ss:$0x1], $0xffff;
	_ =	sdelay $0x1  }
0x15c: {  	v5 =	vld.idx.msk [tilespmem:v5+s12+$0x0], $0xffff  }
0x15d: {  	s0 =	smov.u32 s31;
	s31 =	smov.u32 s30;
	s30 =	smov.u32 s29;
	v6 =	vld.idx.msk [tilespmem:v6+s12+$0x0], $0xffff  }
0x15e: {  	s29 =	smov.u32 s28;
	s28 =	smov.u32 s26;
	s26 =	smov.u32 s25  }
0x15f: {  	s25 =	smov.u32 s24;
	s24 =	smov.u32 s23;
	s21 =	sadd.s32 $0x10, s7;
	v7 =	vmul.f32 v7, v7  }
0x160: {  	s23 =	smov.u32 s22;
	s19 =	simm.s32 $0x40;
	s22 =	simm.s32 $0x80;
	v8 =	vmov s21  }
.LBB2_41:
0x161: {  	p1 =	sne.s32 s22, $0x9C0;
	v8 =	vshll.u32 v8, $0x3;
	v5 =	vmul.f32 v5, v7  }
0x162: {  	v6 =	vmul.f32 v6, v7;
	v8 =	vor.u32 v3, v8  }
0x163: {  	v7 =	vor.u32 $0x1, v8;
	[tilespmem:v0+s18+$0x0 ss:$0x1] =	vst.idx.msk $0xffff, v5  }
0x164: {  	[tilespmem:v1+s18+$0x0 ss:$0x1] =	vst.idx.msk $0xffff, v6;
	s18 =	sshra.s32 s19, $0x2;
	s19 =	smov.u32 s22  }
0x165: {  	v9 =	vld.idx.msk [tilespmem:v4+s18+$0x0 ss:$0x1], $0xffff;
	_ =	sdelay $0x1  }
0x166: {  	v5 =	vld.idx.msk [tilespmem:v8+s12+$0x0], $0xffff  }
.Ltmp20:
0x167: {  	v6 =	vld.idx.msk [tilespmem:v7+s12+$0x0], $0xffff;
	(pc) =	sbr.rel @p1 .LBB2_41-.Ltmp20, $3  }
0x168: {  	_ =	sdelay $0x1  }
0x169: {  	s21 =	sadd.s32 $0x10, s21;
	v7 =	vmul.f32 v9, v9  }
0x16a: {  	s22 =	sadd.s32 $0x40, s22;
	v8 =	vmov s21  }
0x16b: {  	_ =	sdelay $0x1  }
0x16c: {  	v8 =	vshll.u32 v8, $0x3;
	v5 =	vmul.f32 v5, v7  }
0x16d: {  	v6 =	vmul.f32 v6, v7;
	v8 =	vor.u32 v3, v8  }
0x16e: {  	v7 =	vor.u32 $0x1, v8;
	[tilespmem:v0+s18+$0x0 ss:$0x1] =	vst.idx.msk $0xffff, v5  }
0x16f: {  	s19 =	sshra.s32 s19, $0x2;
	[tilespmem:v1+s18+$0x0 ss:$0x1] =	vst.idx.msk $0xffff, v6  }
0x170: {  	v5 =	vld.idx.msk [tilespmem:v4+s19+$0x0 ss:$0x1], $0xffff;
	_ =	sdelay $0x1  }
0x171: {  	v6 =	vld.idx.msk [tilespmem:v8+s12+$0x0], $0xffff  }
0x172: {  	v7 =	vld.idx.msk [tilespmem:v7+s12+$0x0], $0xffff;
	_ =	sdelay $0x1  }
0x173: {  	v5 =	vmul.f32 v5, v5;
	_ =	sdelay $0x1  }
0x174: {  	v6 =	vmul.f32 v6, v5  }
0x175: {  	s22 =	smov.u32 s23;
	s23 =	smov.u32 s24;
	s24 =	smov.u32 s25;
	v5 =	vmul.f32 v7, v5  }
0x176: {  	s25 =	smov.u32 s26;
	s26 =	smov.u32 s28;
	s28 =	smov.u32 s29;
	[tilespmem:v0+s19+$0x0 ss:$0x1] =	vst.idx.msk $0xffff, v6  }
0x177: {  	s29 =	smov.u32 s30;
	s30 =	smov.u32 s31;
	s31 =	smov.u32 s0;
	[tilespmem:v1+s19+$0x0 ss:$0x1] =	vst.idx.msk $0xffff, v5  }
.LBB2_43:
0x178: {  	s18 =	simm.s32 $0x0  }
.LBB2_44:
0x179: {  	s19 =	smul.u32 $0x7D0, s18;
	_ =	sdelay $0x1  }
0x17a: {  	s19 =	sadd.s32 s20, s19  }
0x17b: {  	s19 =	sshrl.u32 s19, $0x3  }
0x17c: {  	s21 =	sadd.s32 s5, s19  }
0x17d: {  	[tilespmem:s13], [sflag:$0x1] =	stream.linear.gather [hbm4b:s21+s17], $0x7D0, $0x38;
	[tilespmem:$0x1FC70] =	vst v63  }
0x17e: {  	_ =	swait.ge [sflag:s2], $0x7D0  }
0x17f: {  	[sflag:s2] =	ssyncset.done $0x0  }
0x180: {  	s0 =	sadd.s32 s6, s19;
	[sflag:s2] =	ssyncadd.s32 $0xFFFFF830  }
0x181: {  	[tilespmem:s3], [sflag:$0x1] =	stream.linear.gather [hbm4b:s0+s17], $0x7D0, $0x38;
	[tilespmem:$0x1FC70] =	vst v63  }
0x182: {  	_ =	swait.ge [sflag:s2], $0x7D0  }
0x183: {  	[sflag:s2] =	ssyncset.done $0x0  }
0x184: {  	s19 =	sadd.s32 s1, s19;
	[sflag:s2] =	ssyncadd.s32 $0xFFFFF830  }
0x185: {  	[tilespmem:s8], [sflag:$0x1] =	stream.linear.gather [hbm4b:s19+s17], $0x7D0, $0x38;
	[tilespmem:$0x1FC70] =	vst v63  }
0x186: {  	_ =	swait.ge [sflag:s2], $0x7D0  }
0x187: {  	[sflag:s2] =	ssyncset.done $0x0  }
0x188: {  	s21 =	simm.s32 $0x0;
	[sflag:s2] =	ssyncadd.s32 $0xFFFFF830  }
0x189: {  	s19 =	simm.s32 $0x40;
	v5 =	vld [tilespmem:s21+$0x1B800]  }
.LBB2_45:
0x18a: {  	p1 =	sne.s32 s19, $0x1F00  }
0x18b: {  	v6 =	vld [tilespmem:s21+$0x1BFD0];
	_ =	sdelay $0x4  }
0x18c: {  	v7 =	vshll.u32 v5, $0x3  }
0x18d: {  	v8 =	vor.u32 $0x1, v7;
	v5 =	vld.idx.msk [tilespmem:v5+s4+$0x0], $0xffff  }
0x18e: {  	v9 =	vld [tilespmem:s21+$0x1C7A0]  }
0x18f: {  	v10 =	vld.idx.msk [tilespmem:v6+s4+$0x0], $0xffff;
	_ =	sdelay $0x1  }
0x190: {  	v7 =	vld.idx.msk [tilespmem:v7+s12+$0x0], $0xffff  }
0x191: {  	v8 =	vld.idx.msk [tilespmem:v8+s12+$0x0], $0xffff  }
0x192: {  	v5 =	vmul.f32 v5, v9;
	_ =	sdelay $0x1  }
0x193: {  	v5 =	vmul.f32 v10, v5;
	_ =	sdelay $0x1  }
.Ltmp21:
0x194: {  	v7 =	vmul.f32 v5, v7;
	(pc) =	sbr.rel @p1 .LBB2_45-.Ltmp21, $4  }
0x195: {  	v5 =	vmul.f32 v8, v5  }
0x196: {  	[tilespmem:v6+s14+$0x0] =	vst.idx.add.f32.msk $0xffff, v7  }
0x197: {  	s21 =	sshra.s32 s19, $0x2;
	[tilespmem:v6+s15+$0x0] =	vst.idx.add.f32.msk $0xffff, v5  }
0x198: {  	s19 =	sadd.s32 $0x40, s19;
	v5 =	vld [tilespmem:s21+$0x1B800]  }
0x199: {  	_ =	sdelay $0x1  }
0x19a: {  	v6 =	vld [tilespmem:s21+$0x1BFD0];
	_ =	sdelay $0x4  }
0x19b: {  	v9 =	vld [tilespmem:s21+$0x1C7A0];
	v7 =	vshll.u32 v5, $0x3  }
0x19c: {  	v5 =	vld.idx.msk [tilespmem:v5+s4+$0x0], $0xffff;
	v8 =	vor.u32 $0x1, v7;
	_ =	sdelay $0x1  }
0x19d: {  	v10 =	vld.idx.msk [tilespmem:v6+s4+$0x0], $0xffff;
	_ =	sdelay $0x1  }
0x19e: {  	v7 =	vld.idx.msk [tilespmem:v7+s12+$0x0], $0xffff  }
0x19f: {  	v5 =	vmul.f32 v5, v9;
	v8 =	vld.idx.msk [tilespmem:v8+s12+$0x0], $0xffff  }
0x1a0: {  	s18 =	sadd.s32 $0x1, s18  }
0x1a1: {  	p1 =	sne.s32 s18, $0x5;
	v5 =	vmul.f32 v10, v5  }
.Ltmp22:
0x1a2: {  	_ = 	snop;
	(pc) =	sbr.rel @p1 .LBB2_44-.Ltmp22, $4  }
0x1a3: {  	v7 =	vmul.f32 v5, v7  }
0x1a4: {  	v5 =	vmul.f32 v8, v5  }
0x1a5: {  	[tilespmem:v6+s14+$0x0] =	vst.idx.add.f32.msk $0xffff, v7  }
0x1a6: {  	[tilespmem:v6+s15+$0x0] =	vst.idx.add.f32.msk $0xffff, v5  }
0x1a7: {  	s0 =	rddreg [dreg:$0x7]  }
0x1a8: {  	[hbm4b:s0+s4] =	stream.linear.scatter [tilespmem:s14], [sflag:$0x1], $0x2800, $0x38;
	[tilespmem:$0x1FC70] =	vst v63  }
0x1a9: {  	_ =	swait.ge [sflag:s2], $0x2800  }
0x1aa: {  	[sflag:s2] =	ssyncset.done $0x0  }
0x1ab: {  	s19 =	rddreg [dreg:$0x8];
	[sflag:s2] =	ssyncadd.s32 $0xFFFFD800  }
0x1ac: {  	[hbm4b:s19+s4] =	stream.linear.scatter [tilespmem:s15], [sflag:$0x1], $0x2800, $0x38;
	[tilespmem:$0x1FC70] =	vst v63  }
0x1ad: {  	_ =	swait.ge [sflag:s2], $0x2800  }
0x1ae: {  	s16 =	sadd.s32 $0x1, s16;
	s21 =	rddreg [dreg:$0x9]  }
0x1af: {  	p1 =	sne.s32 s16, s21  }
.Ltmp23:
0x1b0: {  	_ = 	snop;
	(pc) =	sbr.rel @p1 .LBB2_1-.Ltmp23, $3  }
0x1b1: {  	_ =	sdelay $0x1  }
0x1b2: {  	[sflag:s2] =	ssyncset.done $0x0  }
0x1b3: {  	[sflag:s2] =	ssyncadd.s32 $0xFFFFD800  }
0x1b4: {  	_ =	sfence.sel $0x180000  }
0x1b5: {  	[bflag:$0x0] =	sbarrier.arrive $0xFFFF  }
0x1b6: {  	_ =	strace $0x90000047  }
0x1b7: {  	s0 =	stileid.u32;
	[bflag:$0x2] =	sbarrier.arrive $0xFFFF  }
0x1b8: {  	p0 =	sne.s32 s0, $0x0;
	s0 =	rddreg [dreg:$0x4]  }
0x1b9: {  	s0 =	sadd.s32 @!p0 $0x100000, s0  }
0x1ba: {  	[sflag:s0] =	ssyncadd.tile.s32 @!p0 $0x1;
	_ =	shalt  }
.Lfunc_end2:
_tile_overlayer_lowered:
.L_overlay_start_2:
0x1bb: {  	(tag) =	ssettag $0x2  }
0x1bc: {  	s0 =	rddreg [dreg:$0x0];
	s2 =	stileid.u32  }
0x1bd: {  	s1 =	rddreg [dreg:$0x1];
	p0 =	sne.s32 s2, $0x0  }
0x1be: {  	s3 =	rddreg [dreg:$0x2];
	[bflag:$0x3] =	sbarrier.arrive $0xFFFF;
	s2 =	simm.s32 @!p0 $0x1C01  }
0x1bf: {  	[timem:s3], [sflag:s2] =	dma.local @!p0 [hbm:s0], s1  }
0x1c0: {  	s0 =	simm.s32 @!p0 $0x1  }
0x1c1: {  	_ =	swait.ge @!p0 [sflag:s0], s1  }
0x1c2: {  	s1 =	ssub.s32 @!p0 $0x0, s1;
	[sflag:s0] =	ssyncset.done @!p0 $0x0  }
0x1c3: {  	[sflag:s0] =	ssyncadd.s32 @!p0 s1  }
0x1c4: {  	[bflag:$0x3] =	sbarrier.arrive $0xFFFF  }
0x1c5: {  	_ =	shalt  }

</sc_bundles>
